<compile_context>
chip_gen: v7x
topology: tpu7x:2x2x1
jax: 0.10.2.dev20260603
libtpu: 0.0.44.dev20260713+nightly
codegen_flags: <defaults>
</compile_context>

<pallas_src>
import functools

import jax
import jax.numpy as jnp
from jax import lax
from jax.experimental import pallas as pl
from jax.experimental.pallas import tpu as pltpu
from jax.experimental.pallas import tpu_sc as plsc

N = 50000
E = 800000
H = 64
HA = H + 8

NC = 2
NS = 16
CHUNK = 112
HALF = N // NC
HP = HALF + 88
RPT = HP // NS

NBA = 2
CPT = 448
QIA = CPT // NBA
NCHUNK = CPT * NS
EPAD = NCHUNK * CHUNK


def _enc_body(x_ref, w1_ref, b1_ref, w2_ref, b2_ref, h_ref):
    a = jnp.maximum(jnp.dot(x_ref[...], w1_ref[...],
                            preferred_element_type=jnp.float32) + b1_ref[...], 0.0)
    h = jnp.dot(a, w2_ref[...], preferred_element_type=jnp.float32) + b2_ref[...]
    h_ref[...] = jnp.concatenate(
        [h, jnp.ones((h.shape[0], HA - H), jnp.float32)], axis=1)


def _mlp_body(h_ref, acc_ref, wf1_ref, bf1_ref, wf2_ref, bf2_ref,
              wh1_ref, bh1_ref, wh2_ref, bh2_ref, out_ref):
    cnt = acc_ref[...][:, H:H + 1]
    h = h_ref[...][:, :H] + acc_ref[...][:, :H] / jnp.maximum(cnt, 1.0)
    h = jnp.maximum(jnp.dot(h, wf1_ref[...],
                            preferred_element_type=jnp.float32) + bf1_ref[...], 0.0)
    h = jnp.maximum(jnp.dot(h, wf2_ref[...],
                            preferred_element_type=jnp.float32) + bf2_ref[...], 0.0)
    hid = jnp.maximum(jnp.dot(h, wh1_ref[...],
                              preferred_element_type=jnp.float32) + bh1_ref[...], 0.0)
    out_ref[...] = jnp.dot(hid, wh2_ref[...],
                           preferred_element_type=jnp.float32) + bh2_ref[...]


def _sc_agg_body(h_hbm, src_hbm, dst_hbm, zrow_hbm,
                 acc_out,
                 srcb, dstb, idxb, msgb, acc_sh,
                 g0, g1, s0, s1):
    c = lax.axis_index("c")
    s = lax.axis_index("s")
    base = c * HALF
    gsems = [g0, g1]
    ssems = [s0, s1]

    pltpu.sync_copy(zrow_hbm, acc_sh.at[pl.ds(s * RPT, RPT)])
    plsc.subcore_barrier()

    def load_idx(g, p):
        ci = s * CPT + g
        pltpu.sync_copy(src_hbm.at[pl.ds(ci, 1)], srcb.at[p])
        pltpu.sync_copy(dst_hbm.at[pl.ds(ci, 1)], dstb.at[p])
        for i in range(CHUNK // 16):
            sl = pl.ds(i * 16, 16)
            rel = srcb[p, 0, sl] - base
            ok = (rel >= 0) & (rel < HALF)
            idxb[p, 0, sl] = jnp.where(ok, rel, HALF)

    def fire_gather(p):
        pltpu.async_copy(h_hbm.at[dstb.at[p, 0]], msgb.at[p], gsems[p])

    def drain_gather(p):
        pltpu.make_async_copy(h_hbm.at[dstb.at[p, 0]], msgb.at[p],
                              gsems[p]).wait()

    def fire_scatter(p):
        pltpu.async_copy(msgb.at[p], acc_sh.at[idxb.at[p, 0]],
                         ssems[p], add=True)

    def drain_scatter(p):
        pltpu.make_async_copy(msgb.at[p], acc_sh.at[idxb.at[p, 0]],
                              ssems[p]).wait()

    load_idx(0, 0)
    fire_gather(0)
    load_idx(1, 1)
    fire_gather(1)

    def q_body(q, carry):
        for p in range(NBA):
            g = NBA * q + p
            drain_gather(p)
            fire_scatter(p)

            @pl.when(g + 2 < CPT)
            def _prefetch(g=g, p=p):
                drain_scatter(p)
                load_idx(g + 2, p)
                fire_gather(p)
        return carry

    lax.fori_loop(0, QIA, q_body, 0)
    for p in range(NBA):
        drain_scatter(p)
    plsc.subcore_barrier()

    ob = c * HP + s * RPT
    pltpu.sync_copy(acc_sh.at[pl.ds(s * RPT, RPT)], acc_out.at[pl.ds(ob, RPT)])


_sc_agg = functools.partial(
    pl.kernel,
    out_type=jax.ShapeDtypeStruct((NC * HP, HA), jnp.float32),
    mesh=plsc.VectorSubcoreMesh(core_axis_name="c", subcore_axis_name="s"),
    compiler_params=pltpu.CompilerParams(use_tc_tiling_on_sc=False),
    scratch_types=[
        pltpu.VMEM((NBA, 1, CHUNK), jnp.int32),
        pltpu.VMEM((NBA, 1, CHUNK), jnp.int32),
        pltpu.VMEM((NBA, 1, CHUNK), jnp.int32),
        pltpu.VMEM((NBA, CHUNK, HA), jnp.float32),
        pltpu.VMEM_SHARED((HP, HA), jnp.float32),
    ] + [pltpu.SemaphoreType.DMA] * 4,
)(_sc_agg_body)


BLK = 2000


def _row_spec(w):
    return pl.BlockSpec((BLK, w), lambda i: (i, 0))


def _full_spec(shape):
    return pl.BlockSpec(shape, lambda i: (0,) * len(shape))


def kernel(x, adj, W_enc1, b_enc1, W_enc2, b_enc2, W_fc1, b_fc1, W_fc2, b_fc2,
           W_s1, b_s1, W_s2, b_s2, W_t1, b_t1, W_t2, b_t2):
    f = x.shape[1]

    haug = pl.pallas_call(
        _enc_body,
        grid=(N // BLK,),
        in_specs=[
            _row_spec(f),
            _full_spec((f, H)), _full_spec((1, H)),
            _full_spec((H, H)), _full_spec((1, H)),
        ],
        out_specs=_row_spec(HA),
        out_shape=jax.ShapeDtypeStruct((N, HA), jnp.float32),
    )(x, W_enc1, b_enc1.reshape(1, H), W_enc2, b_enc2.reshape(1, H))

    pad = EPAD - E
    src = jnp.concatenate([adj[0], jnp.full((pad,), N, jnp.int32)]).reshape(NCHUNK, CHUNK)
    dst = jnp.concatenate([adj[1], jnp.zeros((pad,), jnp.int32)]).reshape(NCHUNK, CHUNK)
    zrow = jnp.zeros((RPT, HA), jnp.float32)
    acc_p = _sc_agg(haug, src, dst, zrow)
    acc = jnp.concatenate([acc_p[:HALF], acc_p[HP:HP + HALF]], axis=0)

    wh1 = jnp.concatenate([W_s1, W_t1], axis=1)
    bh1 = jnp.concatenate([b_s1, b_t1]).reshape(1, 64)
    wh2 = jnp.zeros((64, 8), jnp.float32)
    wh2 = wh2.at[:32, 0:1].set(W_s2).at[32:, 1:5].set(W_t2)
    bh2 = jnp.zeros((1, 8), jnp.float32)
    bh2 = bh2.at[0, 0:1].set(b_s2).at[0, 1:5].set(b_t2)

    out8 = pl.pallas_call(
        _mlp_body,
        grid=(N // BLK,),
        in_specs=[
            _row_spec(HA), _row_spec(HA),
            _full_spec((H, H)), _full_spec((1, H)),
            _full_spec((H, H)), _full_spec((1, H)),
            _full_spec((H, 64)), _full_spec((1, 64)),
            _full_spec((64, 8)), _full_spec((1, 8)),
        ],
        out_specs=_row_spec(8),
        out_shape=jax.ShapeDtypeStruct((N, 8), jnp.float32),
    )(haug, acc, W_fc1, b_fc1.reshape(1, H), W_fc2, b_fc2.reshape(1, H),
      wh1, bh1, wh2, bh2)

    return out8[:, 0], out8[:, 1:5]

# --- scband reference (transcript-rebuilt; emitter-appended) ---
"""Pipeline reference for scband-table-gnn-55843164782682 (READ-ONLY COPY).

The authoritative reference and input builder live on the scoring server;
editing this copy changes nothing except your own understanding.
"""

import jax, jax.numpy as jnp
import numpy as np

N = 50000
E = 800000
H = 64

def setup_inputs(seed: int = 0) -> dict:
    key = jax.random.key(seed)
    ks = jax.random.split(key, 20)
    x = jax.random.normal(ks[0], (N, 6), dtype=jnp.float32)
    adj = jax.random.randint(ks[1], (2, E), 0, N, dtype=jnp.int32)
    s = 0.05
    params = {
        'W_enc1': jax.random.normal(ks[2], (6, H), dtype=jnp.float32) * s,
        'b_enc1': jnp.zeros((H,), dtype=jnp.float32),
        'W_enc2': jax.random.normal(ks[3], (H, H), dtype=jnp.float32) * s,
        'b_enc2': jnp.zeros((H,), dtype=jnp.float32),
        'W_fc1': jax.random.normal(ks[4], (H, H), dtype=jnp.float32) * s,
        'b_fc1': jnp.zeros((H,), dtype=jnp.float32),
        'W_fc2': jax.random.normal(ks[5], (H, H), dtype=jnp.float32) * s,
        'b_fc2': jnp.zeros((H,), dtype=jnp.float32),
        'W_s1': jax.random.normal(ks[6], (H, 32), dtype=jnp.float32) * s,
        'b_s1': jnp.zeros((32,), dtype=jnp.float32),
        'W_s2': jax.random.normal(ks[7], (32, 1), dtype=jnp.float32) * s,
        'b_s2': jnp.zeros((1,), dtype=jnp.float32),
        'W_t1': jax.random.normal(ks[8], (H, 32), dtype=jnp.float32) * s,
        'b_t1': jnp.zeros((32,), dtype=jnp.float32),
        'W_t2': jax.random.normal(ks[9], (32, 4), dtype=jnp.float32) * s,
        'b_t2': jnp.zeros((4,), dtype=jnp.float32),
    }
    out = {'x': x, 'adj': adj}
    out.update(params)
    return out


def reference(x, adj, W_enc1, b_enc1, W_enc2, b_enc2, W_fc1, b_fc1, W_fc2, b_fc2,
              W_s1, b_s1, W_s2, b_s2, W_t1, b_t1, W_t2, b_t2):
    # cell_encoder: Linear(6,H) -> ReLU -> Linear(H,H)
    h = jnp.maximum(x @ W_enc1 + b_enc1, 0.0) @ W_enc2 + b_enc2
    # message passing: for each node i, mean of h over neighbors adj[1][adj[0]==i];
    # vectorized as segment mean over source index, zero for isolated nodes (matches loop semantics)
    src = adj[0]
    dst = adj[1]
    msg = jnp.take(h, dst, axis=0)
    sums = jax.ops.segment_sum(msg, src, num_segments=N)
    cnt = jax.ops.segment_sum(jnp.ones((E,), dtype=h.dtype), src, num_segments=N)
    neighbor_mean = sums / jnp.maximum(cnt, 1.0)[:, None]  # zero where cnt==0 since sums==0
    h = h + neighbor_mean
    h = jnp.maximum(h @ W_fc1 + b_fc1, 0.0)
    h = jnp.maximum(h @ W_fc2 + b_fc2, 0.0)
    error_scores = (jnp.maximum(h @ W_s1 + b_s1, 0.0) @ W_s2 + b_s2).squeeze(-1)
    error_types = jnp.maximum(h @ W_t1 + b_t1, 0.0) @ W_t2 + b_t2
    return (error_scores, error_types)

if __name__ == "__main__":
    import jax
    _d = setup_inputs()
    print(jax.jit(kernel)(*tuple(_d.values())))

</pallas_src>

<mosaic_0001>
#map = affine_map<(d0, d1) -> (0, 0)>
module attributes {stable_mosaic.version = 14 : i64} {
  func.func @_sc_agg_body(%arg0: i32, %arg1: i32, %arg2: memref<50000x72xf32, #tpu.memory_space<hbm>>, %arg3: memref<7168x112xi32, #tpu.memory_space<hbm>>, %arg4: memref<7168x112xi32, #tpu.memory_space<hbm>>, %arg5: memref<1568x72xf32, #tpu.memory_space<hbm>>, %arg6: memref<50176x72xf32, #tpu.memory_space<hbm>>, %arg7: memref<2x1x112xi32, #tpu.memory_space<vmem>>, %arg8: memref<2x1x112xi32, #tpu.memory_space<vmem>>, %arg9: memref<2x1x112xi32, #tpu.memory_space<vmem>>, %arg10: memref<2x112x72xf32, #tpu.memory_space<vmem>>, %arg11: memref<25088x72xf32, #tpu.memory_space<vmem_shared>>, %arg12: memref<!tpu.dma_semaphore, #tpu.memory_space<semaphore_mem>>, %arg13: memref<!tpu.dma_semaphore, #tpu.memory_space<semaphore_mem>>, %arg14: memref<!tpu.dma_semaphore, #tpu.memory_space<semaphore_mem>>, %arg15: memref<!tpu.dma_semaphore, #tpu.memory_space<semaphore_mem>>) attributes {dimension_semantics = [#tpu.dimension_semantics<core_parallel>, #tpu.dimension_semantics<subcore_parallel>], iteration_bounds = array<i64: 2, 16>, scalar_prefetch = 0 : i64, scratch_operands = 9 : i64, tpu.core_type = #tpu.core_type<sc_vector_subcore>, window_params = [{transform_indices = #map}, {transform_indices = #map}, {transform_indices = #map}, {transform_indices = #map}, {transform_indices = #map}]} {
    %mul3A = arith.constant 25000 : i32
    %mul3A_0 = arith.muli %arg0, %mul3A : i32
    %mul3A_1 = arith.constant 1568 : i32
    %mul3A_2 = arith.muli %arg1, %mul3A_1 : i32
    "tpu.region"() ({
      %run_scoped3A_445 = tpu.sem_alloc : memref<!tpu.dma_semaphore, #tpu.memory_space<semaphore_mem>>
      %dma_start3A_446 = arith.constant 0 : i32
      %dma_start3A_447 = tpu.memref_slice %arg11[%mul3A_2, %dma_start3A_446] : memref<25088x72xf32, #tpu.memory_space<vmem_shared>> -> memref<1568x72xf32, #tpu.memory_space<vmem_shared>>
      tpu.enqueue_dma source(%arg5 : memref<1568x72xf32, #tpu.memory_space<hbm>>) target(%dma_start3A_447 : memref<1568x72xf32, #tpu.memory_space<vmem_shared>>) target_semaphore(%run_scoped3A_445 : memref<!tpu.dma_semaphore, #tpu.memory_space<semaphore_mem>>)
      %dma_wait3A_448 = arith.constant 0 : i32
      %dma_wait3A_449 = tpu.memref_slice %arg11[%mul3A_2, %dma_wait3A_448] : memref<25088x72xf32, #tpu.memory_space<vmem_shared>> -> memref<1568x72xf32, #tpu.memory_space<vmem_shared>>
      tpu.wait_dma2 semaphore(%run_scoped3A_445 : memref<!tpu.dma_semaphore, #tpu.memory_space<semaphore_mem>>) src(%arg5 : memref<1568x72xf32, #tpu.memory_space<hbm>>) dst(%dma_wait3A_449 : memref<1568x72xf32, #tpu.memory_space<vmem_shared>>)
      tpu.yield
    }) : () -> ()
    %barrier3A = arith.constant 0 : index
    tpu.barrier barrier_id(%barrier3A)
    %mul3A_3 = arith.constant 448 : i32
    %mul3A_4 = arith.muli %arg1, %mul3A_3 : i32
    %add3A = arith.constant 0 : i32
    %add3A_5 = arith.addi %mul3A_4, %add3A : i32
    %run_scoped3A = arith.constant 0 : i32
    "tpu.region"() ({
      %run_scoped3A_445 = tpu.sem_alloc : memref<!tpu.dma_semaphore, #tpu.memory_space<semaphore_mem>>
      %dma_start3A_446 = arith.constant 0 : i32
      %dma_start3A_447 = arith.constant 0 : i32
      %dma_start3A_448 = tpu.memref_slice %arg7[%run_scoped3A, %dma_start3A_446, %dma_start3A_447] : memref<2x1x112xi32, #tpu.memory_space<vmem>> -> memref<1x1x112xi32, #tpu.memory_space<vmem>>
      %dma_start3A_449 = tpu.memref_squeeze %dma_start3A_448 : memref<1x1x112xi32, #tpu.memory_space<vmem>> -> memref<1x112xi32, #tpu.memory_space<vmem>>
      %dma_start3A_450 = arith.constant 0 : i32
      %dma_start3A_451 = tpu.memref_slice %arg3[%add3A_5, %dma_start3A_450] : memref<7168x112xi32, #tpu.memory_space<hbm>> -> memref<1x112xi32, #tpu.memory_space<hbm>>
      %dma_start3A_452 = arith.constant 0 : i32
      %dma_start3A_453 = arith.constant 0 : i32
      %dma_start3A_454 = tpu.memref_slice %arg7[%run_scoped3A, %dma_start3A_452, %dma_start3A_453] : memref<2x1x112xi32, #tpu.memory_space<vmem>> -> memref<1x1x112xi32, #tpu.memory_space<vmem>>
      %dma_start3A_455 = tpu.memref_squeeze %dma_start3A_454 : memref<1x1x112xi32, #tpu.memory_space<vmem>> -> memref<1x112xi32, #tpu.memory_space<vmem>>
      %dma_start3A_456 = arith.constant 0 : i32
      %dma_start3A_457 = tpu.memref_slice %arg3[%add3A_5, %dma_start3A_456] : memref<7168x112xi32, #tpu.memory_space<hbm>> -> memref<1x112xi32, #tpu.memory_space<hbm>>
      tpu.enqueue_dma source(%dma_start3A_457 : memref<1x112xi32, #tpu.memory_space<hbm>>) target(%dma_start3A_455 : memref<1x112xi32, #tpu.memory_space<vmem>>) target_semaphore(%run_scoped3A_445 : memref<!tpu.dma_semaphore, #tpu.memory_space<semaphore_mem>>)
      %dma_wait3A_458 = arith.constant 0 : i32
      %dma_wait3A_459 = arith.constant 0 : i32
      %dma_wait3A_460 = tpu.memref_slice %arg7[%run_scoped3A, %dma_wait3A_458, %dma_wait3A_459] : memref<2x1x112xi32, #tpu.memory_space<vmem>> -> memref<1x1x112xi32, #tpu.memory_space<vmem>>
      %dma_wait3A_461 = tpu.memref_squeeze %dma_wait3A_460 : memref<1x1x112xi32, #tpu.memory_space<vmem>> -> memref<1x112xi32, #tpu.memory_space<vmem>>
      %dma_wait3A_462 = arith.constant 0 : i32
      %dma_wait3A_463 = tpu.memref_slice %arg3[%add3A_5, %dma_wait3A_462] : memref<7168x112xi32, #tpu.memory_space<hbm>> -> memref<1x112xi32, #tpu.memory_space<hbm>>
      %dma_wait3A_464 = arith.constant 0 : i32
      %dma_wait3A_465 = arith.constant 0 : i32
      %dma_wait3A_466 = tpu.memref_slice %arg7[%run_scoped3A, %dma_wait3A_464, %dma_wait3A_465] : memref<2x1x112xi32, #tpu.memory_space<vmem>> -> memref<1x1x112xi32, #tpu.memory_space<vmem>>
      %dma_wait3A_467 = tpu.memref_squeeze %dma_wait3A_466 : memref<1x1x112xi32, #tpu.memory_space<vmem>> -> memref<1x112xi32, #tpu.memory_space<vmem>>
      %dma_wait3A_468 = arith.constant 0 : i32
      %dma_wait3A_469 = tpu.memref_slice %arg3[%add3A_5, %dma_wait3A_468] : memref<7168x112xi32, #tpu.memory_space<hbm>> -> memref<1x112xi32, #tpu.memory_space<hbm>>
      tpu.wait_dma2 semaphore(%run_scoped3A_445 : memref<!tpu.dma_semaphore, #tpu.memory_space<semaphore_mem>>) src(%dma_wait3A_469 : memref<1x112xi32, #tpu.memory_space<hbm>>) dst(%dma_wait3A_467 : memref<1x112xi32, #tpu.memory_space<vmem>>)
      tpu.yield
    }) : () -> ()
    %run_scoped3A_6 = arith.constant 0 : i32
    "tpu.region"() ({
      %run_scoped3A_445 = tpu.sem_alloc : memref<!tpu.dma_semaphore, #tpu.memory_space<semaphore_mem>>
      %dma_start3A_446 = arith.constant 0 : i32
      %dma_start3A_447 = arith.constant 0 : i32
      %dma_start3A_448 = tpu.memref_slice %arg8[%run_scoped3A_6, %dma_start3A_446, %dma_start3A_447] : memref<2x1x112xi32, #tpu.memory_space<vmem>> -> memref<1x1x112xi32, #tpu.memory_space<vmem>>
      %dma_start3A_449 = tpu.memref_squeeze %dma_start3A_448 : memref<1x1x112xi32, #tpu.memory_space<vmem>> -> memref<1x112xi32, #tpu.memory_space<vmem>>
      %dma_start3A_450 = arith.constant 0 : i32
      %dma_start3A_451 = tpu.memref_slice %arg4[%add3A_5, %dma_start3A_450] : memref<7168x112xi32, #tpu.memory_space<hbm>> -> memref<1x112xi32, #tpu.memory_space<hbm>>
      %dma_start3A_452 = arith.constant 0 : i32
      %dma_start3A_453 = arith.constant 0 : i32
      %dma_start3A_454 = tpu.memref_slice %arg8[%run_scoped3A_6, %dma_start3A_452, %dma_start3A_453] : memref<2x1x112xi32, #tpu.memory_space<vmem>> -> memref<1x1x112xi32, #tpu.memory_space<vmem>>
      %dma_start3A_455 = tpu.memref_squeeze %dma_start3A_454 : memref<1x1x112xi32, #tpu.memory_space<vmem>> -> memref<1x112xi32, #tpu.memory_space<vmem>>
      %dma_start3A_456 = arith.constant 0 : i32
      %dma_start3A_457 = tpu.memref_slice %arg4[%add3A_5, %dma_start3A_456] : memref<7168x112xi32, #tpu.memory_space<hbm>> -> memref<1x112xi32, #tpu.memory_space<hbm>>
      tpu.enqueue_dma source(%dma_start3A_457 : memref<1x112xi32, #tpu.memory_space<hbm>>) target(%dma_start3A_455 : memref<1x112xi32, #tpu.memory_space<vmem>>) target_semaphore(%run_scoped3A_445 : memref<!tpu.dma_semaphore, #tpu.memory_space<semaphore_mem>>)
      %dma_wait3A_458 = arith.constant 0 : i32
      %dma_wait3A_459 = arith.constant 0 : i32
      %dma_wait3A_460 = tpu.memref_slice %arg8[%run_scoped3A_6, %dma_wait3A_458, %dma_wait3A_459] : memref<2x1x112xi32, #tpu.memory_space<vmem>> -> memref<1x1x112xi32, #tpu.memory_space<vmem>>
      %dma_wait3A_461 = tpu.memref_squeeze %dma_wait3A_460 : memref<1x1x112xi32, #tpu.memory_space<vmem>> -> memref<1x112xi32, #tpu.memory_space<vmem>>
      %dma_wait3A_462 = arith.constant 0 : i32
      %dma_wait3A_463 = tpu.memref_slice %arg4[%add3A_5, %dma_wait3A_462] : memref<7168x112xi32, #tpu.memory_space<hbm>> -> memref<1x112xi32, #tpu.memory_space<hbm>>
      %dma_wait3A_464 = arith.constant 0 : i32
      %dma_wait3A_465 = arith.constant 0 : i32
      %dma_wait3A_466 = tpu.memref_slice %arg8[%run_scoped3A_6, %dma_wait3A_464, %dma_wait3A_465] : memref<2x1x112xi32, #tpu.memory_space<vmem>> -> memref<1x1x112xi32, #tpu.memory_space<vmem>>
      %dma_wait3A_467 = tpu.memref_squeeze %dma_wait3A_466 : memref<1x1x112xi32, #tpu.memory_space<vmem>> -> memref<1x112xi32, #tpu.memory_space<vmem>>
      %dma_wait3A_468 = arith.constant 0 : i32
      %dma_wait3A_469 = tpu.memref_slice %arg4[%add3A_5, %dma_wait3A_468] : memref<7168x112xi32, #tpu.memory_space<hbm>> -> memref<1x112xi32, #tpu.memory_space<hbm>>
      tpu.wait_dma2 semaphore(%run_scoped3A_445 : memref<!tpu.dma_semaphore, #tpu.memory_space<semaphore_mem>>) src(%dma_wait3A_469 : memref<1x112xi32, #tpu.memory_space<hbm>>) dst(%dma_wait3A_467 : memref<1x112xi32, #tpu.memory_space<vmem>>)
      tpu.yield
    }) : () -> ()
    %get3A = arith.constant 0 : i32
    %get3A_7 = arith.constant 0 : i32
    %get3A_8 = arith.index_cast %get3A : i32 to index
    %get3A_9 = arith.index_cast %get3A_7 : i32 to index
    %get3A_10 = arith.constant 0 : index
    %get3A_11 = tpu.vector_load %arg7[%get3A_8, %get3A_9, %get3A_10] {strides = array<i32>} : memref<2x1x112xi32, #tpu.memory_space<vmem>>, vector<1x1x16xi32>,
    %get3A_12 = vector.shape_cast %get3A_11 : vector<1x1x16xi32> to vector<16xi32>
    %sub3A = vector.broadcast %mul3A_0 : i32 to vector<16xi32>
    %sub3A_13 = arith.subi %get3A_12, %sub3A : vector<16xi32>
    %ge3A = arith.constant 0 : i32
    %ge3A_14 = vector.broadcast %ge3A : i32 to vector<16xi32>
    %ge3A_15 = arith.cmpi sge, %sub3A_13, %ge3A_14 : vector<16xi32>
    %lt3A = arith.constant 25000 : i32
    %lt3A_16 = vector.broadcast %lt3A : i32 to vector<16xi32>
    %lt3A_17 = arith.cmpi slt, %sub3A_13, %lt3A_16 : vector<16xi32>
    %and3A = arith.andi %ge3A_15, %lt3A_17 : vector<16xi1>
    %jit3A = arith.constant 25000 : i32
    %broadcast_in_dim3A = vector.broadcast %jit3A : i32 to vector<16xi32>
    %select_n3A = arith.select %and3A, %sub3A_13, %broadcast_in_dim3A : vector<16xi1>, vector<16xi32>
    %swap3A = arith.constant 0 : i32
    %swap3A_18 = arith.constant 0 : i32
    %swap3A_19 = arith.index_cast %swap3A : i32 to index
    %swap3A_20 = arith.index_cast %swap3A_18 : i32 to index
    %swap3A_21 = arith.constant 0 : index
    %swap3A_22 = tpu.vector_load %arg9[%swap3A_19, %swap3A_20, %swap3A_21] {strides = array<i32>} : memref<2x1x112xi32, #tpu.memory_space<vmem>>, vector<1x1x16xi32>,
    %swap3A_23 = vector.shape_cast %swap3A_22 : vector<1x1x16xi32> to vector<16xi32>
    %swap3A_24 = vector.shape_cast %select_n3A : vector<16xi32> to vector<1x1x16xi32>
    tpu.vector_store %arg9[%swap3A_19, %swap3A_20, %swap3A_21], %swap3A_24 {strides = array<i32>} : memref<2x1x112xi32, #tpu.memory_space<vmem>>, vector<1x1x16xi32>,
    %get3A_25 = arith.constant 0 : i32
    %get3A_26 = arith.constant 0 : i32
    %get3A_27 = arith.index_cast %get3A_25 : i32 to index
    %get3A_28 = arith.index_cast %get3A_26 : i32 to index
    %get3A_29 = arith.constant 16 : index
    %get3A_30 = tpu.vector_load %arg7[%get3A_27, %get3A_28, %get3A_29] {strides = array<i32>} : memref<2x1x112xi32, #tpu.memory_space<vmem>>, vector<1x1x16xi32>,
    %get3A_31 = vector.shape_cast %get3A_30 : vector<1x1x16xi32> to vector<16xi32>
    %sub3A_32 = vector.broadcast %mul3A_0 : i32 to vector<16xi32>
    %sub3A_33 = arith.subi %get3A_31, %sub3A_32 : vector<16xi32>
    %ge3A_34 = arith.constant 0 : i32
    %ge3A_35 = vector.broadcast %ge3A_34 : i32 to vector<16xi32>
    %ge3A_36 = arith.cmpi sge, %sub3A_33, %ge3A_35 : vector<16xi32>
    %lt3A_37 = arith.constant 25000 : i32
    %lt3A_38 = vector.broadcast %lt3A_37 : i32 to vector<16xi32>
    %lt3A_39 = arith.cmpi slt, %sub3A_33, %lt3A_38 : vector<16xi32>
    %and3A_40 = arith.andi %ge3A_36, %lt3A_39 : vector<16xi1>
    %jit3A_41 = arith.constant 25000 : i32
    %broadcast_in_dim3A_42 = vector.broadcast %jit3A_41 : i32 to vector<16xi32>
    %select_n3A_43 = arith.select %and3A_40, %sub3A_33, %broadcast_in_dim3A_42 : vector<16xi1>, vector<16xi32>
    %swap3A_44 = arith.constant 0 : i32
    %swap3A_45 = arith.constant 0 : i32
    %swap3A_46 = arith.index_cast %swap3A_44 : i32 to index
    %swap3A_47 = arith.index_cast %swap3A_45 : i32 to index
    %swap3A_48 = arith.constant 16 : index
    %swap3A_49 = tpu.vector_load %arg9[%swap3A_46, %swap3A_47, %swap3A_48] {strides = array<i32>} : memref<2x1x112xi32, #tpu.memory_space<vmem>>, vector<1x1x16xi32>,
    %swap3A_50 = vector.shape_cast %swap3A_49 : vector<1x1x16xi32> to vector<16xi32>
    %swap3A_51 = vector.shape_cast %select_n3A_43 : vector<16xi32> to vector<1x1x16xi32>
    tpu.vector_store %arg9[%swap3A_46, %swap3A_47, %swap3A_48], %swap3A_51 {strides = array<i32>} : memref<2x1x112xi32, #tpu.memory_space<vmem>>, vector<1x1x16xi32>,
    %get3A_52 = arith.constant 0 : i32
    %get3A_53 = arith.constant 0 : i32
    %get3A_54 = arith.index_cast %get3A_52 : i32 to index
    %get3A_55 = arith.index_cast %get3A_53 : i32 to index
    %get3A_56 = arith.constant 32 : index
    %get3A_57 = tpu.vector_load %arg7[%get3A_54, %get3A_55, %get3A_56] {strides = array<i32>} : memref<2x1x112xi32, #tpu.memory_space<vmem>>, vector<1x1x16xi32>,
    %get3A_58 = vector.shape_cast %get3A_57 : vector<1x1x16xi32> to vector<16xi32>
    %sub3A_59 = vector.broadcast %mul3A_0 : i32 to vector<16xi32>
    %sub3A_60 = arith.subi %get3A_58, %sub3A_59 : vector<16xi32>
    %ge3A_61 = arith.constant 0 : i32
    %ge3A_62 = vector.broadcast %ge3A_61 : i32 to vector<16xi32>
    %ge3A_63 = arith.cmpi sge, %sub3A_60, %ge3A_62 : vector<16xi32>
    %lt3A_64 = arith.constant 25000 : i32
    %lt3A_65 = vector.broadcast %lt3A_64 : i32 to vector<16xi32>
    %lt3A_66 = arith.cmpi slt, %sub3A_60, %lt3A_65 : vector<16xi32>
    %and3A_67 = arith.andi %ge3A_63, %lt3A_66 : vector<16xi1>
    %jit3A_68 = arith.constant 25000 : i32
    %broadcast_in_dim3A_69 = vector.broadcast %jit3A_68 : i32 to vector<16xi32>
    %select_n3A_70 = arith.select %and3A_67, %sub3A_60, %broadcast_in_dim3A_69 : vector<16xi1>, vector<16xi32>
    %swap3A_71 = arith.constant 0 : i32
    %swap3A_72 = arith.constant 0 : i32
    %swap3A_73 = arith.index_cast %swap3A_71 : i32 to index
    %swap3A_74 = arith.index_cast %swap3A_72 : i32 to index
    %swap3A_75 = arith.constant 32 : index
    %swap3A_76 = tpu.vector_load %arg9[%swap3A_73, %swap3A_74, %swap3A_75] {strides = array<i32>} : memref<2x1x112xi32, #tpu.memory_space<vmem>>, vector<1x1x16xi32>,
    %swap3A_77 = vector.shape_cast %swap3A_76 : vector<1x1x16xi32> to vector<16xi32>
    %swap3A_78 = vector.shape_cast %select_n3A_70 : vector<16xi32> to vector<1x1x16xi32>
    tpu.vector_store %arg9[%swap3A_73, %swap3A_74, %swap3A_75], %swap3A_78 {strides = array<i32>} : memref<2x1x112xi32, #tpu.memory_space<vmem>>, vector<1x1x16xi32>,
    %get3A_79 = arith.constant 0 : i32
    %get3A_80 = arith.constant 0 : i32
    %get3A_81 = arith.index_cast %get3A_79 : i32 to index
    %get3A_82 = arith.index_cast %get3A_80 : i32 to index
    %get3A_83 = arith.constant 48 : index
    %get3A_84 = tpu.vector_load %arg7[%get3A_81, %get3A_82, %get3A_83] {strides = array<i32>} : memref<2x1x112xi32, #tpu.memory_space<vmem>>, vector<1x1x16xi32>,
    %get3A_85 = vector.shape_cast %get3A_84 : vector<1x1x16xi32> to vector<16xi32>
    %sub3A_86 = vector.broadcast %mul3A_0 : i32 to vector<16xi32>
    %sub3A_87 = arith.subi %get3A_85, %sub3A_86 : vector<16xi32>
    %ge3A_88 = arith.constant 0 : i32
    %ge3A_89 = vector.broadcast %ge3A_88 : i32 to vector<16xi32>
    %ge3A_90 = arith.cmpi sge, %sub3A_87, %ge3A_89 : vector<16xi32>
    %lt3A_91 = arith.constant 25000 : i32
    %lt3A_92 = vector.broadcast %lt3A_91 : i32 to vector<16xi32>
    %lt3A_93 = arith.cmpi slt, %sub3A_87, %lt3A_92 : vector<16xi32>
    %and3A_94 = arith.andi %ge3A_90, %lt3A_93 : vector<16xi1>
    %jit3A_95 = arith.constant 25000 : i32
    %broadcast_in_dim3A_96 = vector.broadcast %jit3A_95 : i32 to vector<16xi32>
    %select_n3A_97 = arith.select %and3A_94, %sub3A_87, %broadcast_in_dim3A_96 : vector<16xi1>, vector<16xi32>
    %swap3A_98 = arith.constant 0 : i32
    %swap3A_99 = arith.constant 0 : i32
    %swap3A_100 = arith.index_cast %swap3A_98 : i32 to index
    %swap3A_101 = arith.index_cast %swap3A_99 : i32 to index
    %swap3A_102 = arith.constant 48 : index
    %swap3A_103 = tpu.vector_load %arg9[%swap3A_100, %swap3A_101, %swap3A_102] {strides = array<i32>} : memref<2x1x112xi32, #tpu.memory_space<vmem>>, vector<1x1x16xi32>,
    %swap3A_104 = vector.shape_cast %swap3A_103 : vector<1x1x16xi32> to vector<16xi32>
    %swap3A_105 = vector.shape_cast %select_n3A_97 : vector<16xi32> to vector<1x1x16xi32>
    tpu.vector_store %arg9[%swap3A_100, %swap3A_101, %swap3A_102], %swap3A_105 {strides = array<i32>} : memref<2x1x112xi32, #tpu.memory_space<vmem>>, vector<1x1x16xi32>,
    %get3A_106 = arith.constant 0 : i32
    %get3A_107 = arith.constant 0 : i32
    %get3A_108 = arith.index_cast %get3A_106 : i32 to index
    %get3A_109 = arith.index_cast %get3A_107 : i32 to index
    %get3A_110 = arith.constant 64 : index
    %get3A_111 = tpu.vector_load %arg7[%get3A_108, %get3A_109, %get3A_110] {strides = array<i32>} : memref<2x1x112xi32, #tpu.memory_space<vmem>>, vector<1x1x16xi32>,
    %get3A_112 = vector.shape_cast %get3A_111 : vector<1x1x16xi32> to vector<16xi32>
    %sub3A_113 = vector.broadcast %mul3A_0 : i32 to vector<16xi32>
    %sub3A_114 = arith.subi %get3A_112, %sub3A_113 : vector<16xi32>
    %ge3A_115 = arith.constant 0 : i32
    %ge3A_116 = vector.broadcast %ge3A_115 : i32 to vector<16xi32>
    %ge3A_117 = arith.cmpi sge, %sub3A_114, %ge3A_116 : vector<16xi32>
    %lt3A_118 = arith.constant 25000 : i32
    %lt3A_119 = vector.broadcast %lt3A_118 : i32 to vector<16xi32>
    %lt3A_120 = arith.cmpi slt, %sub3A_114, %lt3A_119 : vector<16xi32>
    %and3A_121 = arith.andi %ge3A_117, %lt3A_120 : vector<16xi1>
    %jit3A_122 = arith.constant 25000 : i32
    %broadcast_in_dim3A_123 = vector.broadcast %jit3A_122 : i32 to vector<16xi32>
    %select_n3A_124 = arith.select %and3A_121, %sub3A_114, %broadcast_in_dim3A_123 : vector<16xi1>, vector<16xi32>
    %swap3A_125 = arith.constant 0 : i32
    %swap3A_126 = arith.constant 0 : i32
    %swap3A_127 = arith.index_cast %swap3A_125 : i32 to index
    %swap3A_128 = arith.index_cast %swap3A_126 : i32 to index
    %swap3A_129 = arith.constant 64 : index
    %swap3A_130 = tpu.vector_load %arg9[%swap3A_127, %swap3A_128, %swap3A_129] {strides = array<i32>} : memref<2x1x112xi32, #tpu.memory_space<vmem>>, vector<1x1x16xi32>,
    %swap3A_131 = vector.shape_cast %swap3A_130 : vector<1x1x16xi32> to vector<16xi32>
    %swap3A_132 = vector.shape_cast %select_n3A_124 : vector<16xi32> to vector<1x1x16xi32>
    tpu.vector_store %arg9[%swap3A_127, %swap3A_128, %swap3A_129], %swap3A_132 {strides = array<i32>} : memref<2x1x112xi32, #tpu.memory_space<vmem>>, vector<1x1x16xi32>,
    %get3A_133 = arith.constant 0 : i32
    %get3A_134 = arith.constant 0 : i32
    %get3A_135 = arith.index_cast %get3A_133 : i32 to index
    %get3A_136 = arith.index_cast %get3A_134 : i32 to index
    %get3A_137 = arith.constant 80 : index
    %get3A_138 = tpu.vector_load %arg7[%get3A_135, %get3A_136, %get3A_137] {strides = array<i32>} : memref<2x1x112xi32, #tpu.memory_space<vmem>>, vector<1x1x16xi32>,
    %get3A_139 = vector.shape_cast %get3A_138 : vector<1x1x16xi32> to vector<16xi32>
    %sub3A_140 = vector.broadcast %mul3A_0 : i32 to vector<16xi32>
    %sub3A_141 = arith.subi %get3A_139, %sub3A_140 : vector<16xi32>
    %ge3A_142 = arith.constant 0 : i32
    %ge3A_143 = vector.broadcast %ge3A_142 : i32 to vector<16xi32>
    %ge3A_144 = arith.cmpi sge, %sub3A_141, %ge3A_143 : vector<16xi32>
    %lt3A_145 = arith.constant 25000 : i32
    %lt3A_146 = vector.broadcast %lt3A_145 : i32 to vector<16xi32>
    %lt3A_147 = arith.cmpi slt, %sub3A_141, %lt3A_146 : vector<16xi32>
    %and3A_148 = arith.andi %ge3A_144, %lt3A_147 : vector<16xi1>
    %jit3A_149 = arith.constant 25000 : i32
    %broadcast_in_dim3A_150 = vector.broadcast %jit3A_149 : i32 to vector<16xi32>
    %select_n3A_151 = arith.select %and3A_148, %sub3A_141, %broadcast_in_dim3A_150 : vector<16xi1>, vector<16xi32>
    %swap3A_152 = arith.constant 0 : i32
    %swap3A_153 = arith.constant 0 : i32
    %swap3A_154 = arith.index_cast %swap3A_152 : i32 to index
    %swap3A_155 = arith.index_cast %swap3A_153 : i32 to index
    %swap3A_156 = arith.constant 80 : index
    %swap3A_157 = tpu.vector_load %arg9[%swap3A_154, %swap3A_155, %swap3A_156] {strides = array<i32>} : memref<2x1x112xi32, #tpu.memory_space<vmem>>, vector<1x1x16xi32>,
    %swap3A_158 = vector.shape_cast %swap3A_157 : vector<1x1x16xi32> to vector<16xi32>
    %swap3A_159 = vector.shape_cast %select_n3A_151 : vector<16xi32> to vector<1x1x16xi32>
    tpu.vector_store %arg9[%swap3A_154, %swap3A_155, %swap3A_156], %swap3A_159 {strides = array<i32>} : memref<2x1x112xi32, #tpu.memory_space<vmem>>, vector<1x1x16xi32>,
    %get3A_160 = arith.constant 0 : i32
    %get3A_161 = arith.constant 0 : i32
    %get3A_162 = arith.index_cast %get3A_160 : i32 to index
    %get3A_163 = arith.index_cast %get3A_161 : i32 to index
    %get3A_164 = arith.constant 96 : index
    %get3A_165 = tpu.vector_load %arg7[%get3A_162, %get3A_163, %get3A_164] {strides = array<i32>} : memref<2x1x112xi32, #tpu.memory_space<vmem>>, vector<1x1x16xi32>,
    %get3A_166 = vector.shape_cast %get3A_165 : vector<1x1x16xi32> to vector<16xi32>
    %sub3A_167 = vector.broadcast %mul3A_0 : i32 to vector<16xi32>
    %sub3A_168 = arith.subi %get3A_166, %sub3A_167 : vector<16xi32>
    %ge3A_169 = arith.constant 0 : i32
    %ge3A_170 = vector.broadcast %ge3A_169 : i32 to vector<16xi32>
    %ge3A_171 = arith.cmpi sge, %sub3A_168, %ge3A_170 : vector<16xi32>
    %lt3A_172 = arith.constant 25000 : i32
    %lt3A_173 = vector.broadcast %lt3A_172 : i32 to vector<16xi32>
    %lt3A_174 = arith.cmpi slt, %sub3A_168, %lt3A_173 : vector<16xi32>
    %and3A_175 = arith.andi %ge3A_171, %lt3A_174 : vector<16xi1>
    %jit3A_176 = arith.constant 25000 : i32
    %broadcast_in_dim3A_177 = vector.broadcast %jit3A_176 : i32 to vector<16xi32>
    %select_n3A_178 = arith.select %and3A_175, %sub3A_168, %broadcast_in_dim3A_177 : vector<16xi1>, vector<16xi32>
    %swap3A_179 = arith.constant 0 : i32
    %swap3A_180 = arith.constant 0 : i32
    %swap3A_181 = arith.index_cast %swap3A_179 : i32 to index
    %swap3A_182 = arith.index_cast %swap3A_180 : i32 to index
    %swap3A_183 = arith.constant 96 : index
    %swap3A_184 = tpu.vector_load %arg9[%swap3A_181, %swap3A_182, %swap3A_183] {strides = array<i32>} : memref<2x1x112xi32, #tpu.memory_space<vmem>>, vector<1x1x16xi32>,
    %swap3A_185 = vector.shape_cast %swap3A_184 : vector<1x1x16xi32> to vector<16xi32>
    %swap3A_186 = vector.shape_cast %select_n3A_178 : vector<16xi32> to vector<1x1x16xi32>
    tpu.vector_store %arg9[%swap3A_181, %swap3A_182, %swap3A_183], %swap3A_186 {strides = array<i32>} : memref<2x1x112xi32, #tpu.memory_space<vmem>>, vector<1x1x16xi32>,
    %dma_start3A = arith.constant 0 : i32
    %dma_start3A_187 = arith.constant 0 : i32
    %dma_start3A_188 = arith.constant 0 : i32
    %dma_start3A_189 = arith.constant 0 : i32
    %dma_start3A_190 = arith.constant 0 : i32
    %dma_start3A_191 = tpu.memref_slice %arg10[%dma_start3A_188, %dma_start3A_189, %dma_start3A_190] : memref<2x112x72xf32, #tpu.memory_space<vmem>> -> memref<1x112x72xf32, #tpu.memory_space<vmem>>
    %dma_start3A_192 = tpu.memref_squeeze %dma_start3A_191 : memref<1x112x72xf32, #tpu.memory_space<vmem>> -> memref<112x72xf32, #tpu.memory_space<vmem>>
    %dma_start3A_193 = arith.constant 0 : i32
    %dma_start3A_194 = tpu.memref_slice %arg8[%dma_start3A, %dma_start3A_187, %dma_start3A_193] : memref<2x1x112xi32, #tpu.memory_space<vmem>> -> memref<1x1x112xi32, #tpu.memory_space<vmem>>
    %dma_start3A_195 = tpu.memref_squeeze %dma_start3A_194 : memref<1x1x112xi32, #tpu.memory_space<vmem>> -> memref<112xi32, #tpu.memory_space<vmem>>
    %dma_start3A_196 = arith.constant 0 : i32
    %dma_start3A_197 = arith.constant 0 : i32
    %dma_start3A_198 = tpu.memref_slice %arg2[%dma_start3A_196, %dma_start3A_197] : memref<50000x72xf32, #tpu.memory_space<hbm>> -> memref<50000x72xf32, #tpu.memory_space<hbm>>
    tpu.enqueue_indirect_dma source(%dma_start3A_198 : memref<50000x72xf32, #tpu.memory_space<hbm>>) target(%dma_start3A_192 : memref<112x72xf32, #tpu.memory_space<vmem>>) offsets(%dma_start3A_195 : memref<112xi32, #tpu.memory_space<vmem>>) semaphore(%arg12 : memref<!tpu.dma_semaphore, #tpu.memory_space<semaphore_mem>>)
    %mul3A_199 = arith.constant 448 : i32
    %mul3A_200 = arith.muli %arg1, %mul3A_199 : i32
    %add3A_201 = arith.constant 1 : i32
    %add3A_202 = arith.addi %mul3A_200, %add3A_201 : i32
    %run_scoped3A_203 = arith.constant 1 : i32
    "tpu.region"() ({
      %run_scoped3A_445 = tpu.sem_alloc : memref<!tpu.dma_semaphore, #tpu.memory_space<semaphore_mem>>
      %dma_start3A_446 = arith.constant 0 : i32
      %dma_start3A_447 = arith.constant 0 : i32
      %dma_start3A_448 = tpu.memref_slice %arg7[%run_scoped3A_203, %dma_start3A_446, %dma_start3A_447] : memref<2x1x112xi32, #tpu.memory_space<vmem>> -> memref<1x1x112xi32, #tpu.memory_space<vmem>>
      %dma_start3A_449 = tpu.memref_squeeze %dma_start3A_448 : memref<1x1x112xi32, #tpu.memory_space<vmem>> -> memref<1x112xi32, #tpu.memory_space<vmem>>
      %dma_start3A_450 = arith.constant 0 : i32
      %dma_start3A_451 = tpu.memref_slice %arg3[%add3A_202, %dma_start3A_450] : memref<7168x112xi32, #tpu.memory_space<hbm>> -> memref<1x112xi32, #tpu.memory_space<hbm>>
      %dma_start3A_452 = arith.constant 0 : i32
      %dma_start3A_453 = arith.constant 0 : i32
      %dma_start3A_454 = tpu.memref_slice %arg7[%run_scoped3A_203, %dma_start3A_452, %dma_start3A_453] : memref<2x1x112xi32, #tpu.memory_space<vmem>> -> memref<1x1x112xi32, #tpu.memory_space<vmem>>
      %dma_start3A_455 = tpu.memref_squeeze %dma_start3A_454 : memref<1x1x112xi32, #tpu.memory_space<vmem>> -> memref<1x112xi32, #tpu.memory_space<vmem>>
      %dma_start3A_456 = arith.constant 0 : i32
      %dma_start3A_457 = tpu.memref_slice %arg3[%add3A_202, %dma_start3A_456] : memref<7168x112xi32, #tpu.memory_space<hbm>> -> memref<1x112xi32, #tpu.memory_space<hbm>>
      tpu.enqueue_dma source(%dma_start3A_457 : memref<1x112xi32, #tpu.memory_space<hbm>>) target(%dma_start3A_455 : memref<1x112xi32, #tpu.memory_space<vmem>>) target_semaphore(%run_scoped3A_445 : memref<!tpu.dma_semaphore, #tpu.memory_space<semaphore_mem>>)
      %dma_wait3A_458 = arith.constant 0 : i32
      %dma_wait3A_459 = arith.constant 0 : i32
      %dma_wait3A_460 = tpu.memref_slice %arg7[%run_scoped3A_203, %dma_wait3A_458, %dma_wait3A_459] : memref<2x1x112xi32, #tpu.memory_space<vmem>> -> memref<1x1x112xi32, #tpu.memory_space<vmem>>
      %dma_wait3A_461 = tpu.memref_squeeze %dma_wait3A_460 : memref<1x1x112xi32, #tpu.memory_space<vmem>> -> memref<1x112xi32, #tpu.memory_space<vmem>>
      %dma_wait3A_462 = arith.constant 0 : i32
      %dma_wait3A_463 = tpu.memref_slice %arg3[%add3A_202, %dma_wait3A_462] : memref<7168x112xi32, #tpu.memory_space<hbm>> -> memref<1x112xi32, #tpu.memory_space<hbm>>
      %dma_wait3A_464 = arith.constant 0 : i32
      %dma_wait3A_465 = arith.constant 0 : i32
      %dma_wait3A_466 = tpu.memref_slice %arg7[%run_scoped3A_203, %dma_wait3A_464, %dma_wait3A_465] : memref<2x1x112xi32, #tpu.memory_space<vmem>> -> memref<1x1x112xi32, #tpu.memory_space<vmem>>
      %dma_wait3A_467 = tpu.memref_squeeze %dma_wait3A_466 : memref<1x1x112xi32, #tpu.memory_space<vmem>> -> memref<1x112xi32, #tpu.memory_space<vmem>>
      %dma_wait3A_468 = arith.constant 0 : i32
      %dma_wait3A_469 = tpu.memref_slice %arg3[%add3A_202, %dma_wait3A_468] : memref<7168x112xi32, #tpu.memory_space<hbm>> -> memref<1x112xi32, #tpu.memory_space<hbm>>
      tpu.wait_dma2 semaphore(%run_scoped3A_445 : memref<!tpu.dma_semaphore, #tpu.memory_space<semaphore_mem>>) src(%dma_wait3A_469 : memref<1x112xi32, #tpu.memory_space<hbm>>) dst(%dma_wait3A_467 : memref<1x112xi32, #tpu.memory_space<vmem>>)
      tpu.yield
    }) : () -> ()
    %run_scoped3A_204 = arith.constant 1 : i32
    "tpu.region"() ({
      %run_scoped3A_445 = tpu.sem_alloc : memref<!tpu.dma_semaphore, #tpu.memory_space<semaphore_mem>>
      %dma_start3A_446 = arith.constant 0 : i32
      %dma_start3A_447 = arith.constant 0 : i32
      %dma_start3A_448 = tpu.memref_slice %arg8[%run_scoped3A_204, %dma_start3A_446, %dma_start3A_447] : memref<2x1x112xi32, #tpu.memory_space<vmem>> -> memref<1x1x112xi32, #tpu.memory_space<vmem>>
      %dma_start3A_449 = tpu.memref_squeeze %dma_start3A_448 : memref<1x1x112xi32, #tpu.memory_space<vmem>> -> memref<1x112xi32, #tpu.memory_space<vmem>>
      %dma_start3A_450 = arith.constant 0 : i32
      %dma_start3A_451 = tpu.memref_slice %arg4[%add3A_202, %dma_start3A_450] : memref<7168x112xi32, #tpu.memory_space<hbm>> -> memref<1x112xi32, #tpu.memory_space<hbm>>
      %dma_start3A_452 = arith.constant 0 : i32
      %dma_start3A_453 = arith.constant 0 : i32
      %dma_start3A_454 = tpu.memref_slice %arg8[%run_scoped3A_204, %dma_start3A_452, %dma_start3A_453] : memref<2x1x112xi32, #tpu.memory_space<vmem>> -> memref<1x1x112xi32, #tpu.memory_space<vmem>>
      %dma_start3A_455 = tpu.memref_squeeze %dma_start3A_454 : memref<1x1x112xi32, #tpu.memory_space<vmem>> -> memref<1x112xi32, #tpu.memory_space<vmem>>
      %dma_start3A_456 = arith.constant 0 : i32
      %dma_start3A_457 = tpu.memref_slice %arg4[%add3A_202, %dma_start3A_456] : memref<7168x112xi32, #tpu.memory_space<hbm>> -> memref<1x112xi32, #tpu.memory_space<hbm>>
      tpu.enqueue_dma source(%dma_start3A_457 : memref<1x112xi32, #tpu.memory_space<hbm>>) target(%dma_start3A_455 : memref<1x112xi32, #tpu.memory_space<vmem>>) target_semaphore(%run_scoped3A_445 : memref<!tpu.dma_semaphore, #tpu.memory_space<semaphore_mem>>)
      %dma_wait3A_458 = arith.constant 0 : i32
      %dma_wait3A_459 = arith.constant 0 : i32
      %dma_wait3A_460 = tpu.memref_slice %arg8[%run_scoped3A_204, %dma_wait3A_458, %dma_wait3A_459] : memref<2x1x112xi32, #tpu.memory_space<vmem>> -> memref<1x1x112xi32, #tpu.memory_space<vmem>>
      %dma_wait3A_461 = tpu.memref_squeeze %dma_wait3A_460 : memref<1x1x112xi32, #tpu.memory_space<vmem>> -> memref<1x112xi32, #tpu.memory_space<vmem>>
      %dma_wait3A_462 = arith.constant 0 : i32
      %dma_wait3A_463 = tpu.memref_slice %arg4[%add3A_202, %dma_wait3A_462] : memref<7168x112xi32, #tpu.memory_space<hbm>> -> memref<1x112xi32, #tpu.memory_space<hbm>>
      %dma_wait3A_464 = arith.constant 0 : i32
      %dma_wait3A_465 = arith.constant 0 : i32
      %dma_wait3A_466 = tpu.memref_slice %arg8[%run_scoped3A_204, %dma_wait3A_464, %dma_wait3A_465] : memref<2x1x112xi32, #tpu.memory_space<vmem>> -> memref<1x1x112xi32, #tpu.memory_space<vmem>>
      %dma_wait3A_467 = tpu.memref_squeeze %dma_wait3A_466 : memref<1x1x112xi32, #tpu.memory_space<vmem>> -> memref<1x112xi32, #tpu.memory_space<vmem>>
      %dma_wait3A_468 = arith.constant 0 : i32
      %dma_wait3A_469 = tpu.memref_slice %arg4[%add3A_202, %dma_wait3A_468] : memref<7168x112xi32, #tpu.memory_space<hbm>> -> memref<1x112xi32, #tpu.memory_space<hbm>>
      tpu.wait_dma2 semaphore(%run_scoped3A_445 : memref<!tpu.dma_semaphore, #tpu.memory_space<semaphore_mem>>) src(%dma_wait3A_469 : memref<1x112xi32, #tpu.memory_space<hbm>>) dst(%dma_wait3A_467 : memref<1x112xi32, #tpu.memory_space<vmem>>)
      tpu.yield
    }) : () -> ()
    %get3A_205 = arith.constant 1 : i32
    %get3A_206 = arith.constant 0 : i32
    %get3A_207 = arith.index_cast %get3A_205 : i32 to index
    %get3A_208 = arith.index_cast %get3A_206 : i32 to index
    %get3A_209 = arith.constant 0 : index
    %get3A_210 = tpu.vector_load %arg7[%get3A_207, %get3A_208, %get3A_209] {strides = array<i32>} : memref<2x1x112xi32, #tpu.memory_space<vmem>>, vector<1x1x16xi32>,
    %get3A_211 = vector.shape_cast %get3A_210 : vector<1x1x16xi32> to vector<16xi32>
    %sub3A_212 = vector.broadcast %mul3A_0 : i32 to vector<16xi32>
    %sub3A_213 = arith.subi %get3A_211, %sub3A_212 : vector<16xi32>
    %ge3A_214 = arith.constant 0 : i32
    %ge3A_215 = vector.broadcast %ge3A_214 : i32 to vector<16xi32>
    %ge3A_216 = arith.cmpi sge, %sub3A_213, %ge3A_215 : vector<16xi32>
    %lt3A_217 = arith.constant 25000 : i32
    %lt3A_218 = vector.broadcast %lt3A_217 : i32 to vector<16xi32>
    %lt3A_219 = arith.cmpi slt, %sub3A_213, %lt3A_218 : vector<16xi32>
    %and3A_220 = arith.andi %ge3A_216, %lt3A_219 : vector<16xi1>
    %jit3A_221 = arith.constant 25000 : i32
    %broadcast_in_dim3A_222 = vector.broadcast %jit3A_221 : i32 to vector<16xi32>
    %select_n3A_223 = arith.select %and3A_220, %sub3A_213, %broadcast_in_dim3A_222 : vector<16xi1>, vector<16xi32>
    %swap3A_224 = arith.constant 1 : i32
    %swap3A_225 = arith.constant 0 : i32
    %swap3A_226 = arith.index_cast %swap3A_224 : i32 to index
    %swap3A_227 = arith.index_cast %swap3A_225 : i32 to index
    %swap3A_228 = arith.constant 0 : index
    %swap3A_229 = tpu.vector_load %arg9[%swap3A_226, %swap3A_227, %swap3A_228] {strides = array<i32>} : memref<2x1x112xi32, #tpu.memory_space<vmem>>, vector<1x1x16xi32>,
    %swap3A_230 = vector.shape_cast %swap3A_229 : vector<1x1x16xi32> to vector<16xi32>
    %swap3A_231 = vector.shape_cast %select_n3A_223 : vector<16xi32> to vector<1x1x16xi32>
    tpu.vector_store %arg9[%swap3A_226, %swap3A_227, %swap3A_228], %swap3A_231 {strides = array<i32>} : memref<2x1x112xi32, #tpu.memory_space<vmem>>, vector<1x1x16xi32>,
    %get3A_232 = arith.constant 1 : i32
    %get3A_233 = arith.constant 0 : i32
    %get3A_234 = arith.index_cast %get3A_232 : i32 to index
    %get3A_235 = arith.index_cast %get3A_233 : i32 to index
    %get3A_236 = arith.constant 16 : index
    %get3A_237 = tpu.vector_load %arg7[%get3A_234, %get3A_235, %get3A_236] {strides = array<i32>} : memref<2x1x112xi32, #tpu.memory_space<vmem>>, vector<1x1x16xi32>,
    %get3A_238 = vector.shape_cast %get3A_237 : vector<1x1x16xi32> to vector<16xi32>
    %sub3A_239 = vector.broadcast %mul3A_0 : i32 to vector<16xi32>
    %sub3A_240 = arith.subi %get3A_238, %sub3A_239 : vector<16xi32>
    %ge3A_241 = arith.constant 0 : i32
    %ge3A_242 = vector.broadcast %ge3A_241 : i32 to vector<16xi32>
    %ge3A_243 = arith.cmpi sge, %sub3A_240, %ge3A_242 : vector<16xi32>
    %lt3A_244 = arith.constant 25000 : i32
    %lt3A_245 = vector.broadcast %lt3A_244 : i32 to vector<16xi32>
    %lt3A_246 = arith.cmpi slt, %sub3A_240, %lt3A_245 : vector<16xi32>
    %and3A_247 = arith.andi %ge3A_243, %lt3A_246 : vector<16xi1>
    %jit3A_248 = arith.constant 25000 : i32
    %broadcast_in_dim3A_249 = vector.broadcast %jit3A_248 : i32 to vector<16xi32>
    %select_n3A_250 = arith.select %and3A_247, %sub3A_240, %broadcast_in_dim3A_249 : vector<16xi1>, vector<16xi32>
    %swap3A_251 = arith.constant 1 : i32
    %swap3A_252 = arith.constant 0 : i32
    %swap3A_253 = arith.index_cast %swap3A_251 : i32 to index
    %swap3A_254 = arith.index_cast %swap3A_252 : i32 to index
    %swap3A_255 = arith.constant 16 : index
    %swap3A_256 = tpu.vector_load %arg9[%swap3A_253, %swap3A_254, %swap3A_255] {strides = array<i32>} : memref<2x1x112xi32, #tpu.memory_space<vmem>>, vector<1x1x16xi32>,
    %swap3A_257 = vector.shape_cast %swap3A_256 : vector<1x1x16xi32> to vector<16xi32>
    %swap3A_258 = vector.shape_cast %select_n3A_250 : vector<16xi32> to vector<1x1x16xi32>
    tpu.vector_store %arg9[%swap3A_253, %swap3A_254, %swap3A_255], %swap3A_258 {strides = array<i32>} : memref<2x1x112xi32, #tpu.memory_space<vmem>>, vector<1x1x16xi32>,
    %get3A_259 = arith.constant 1 : i32
    %get3A_260 = arith.constant 0 : i32
    %get3A_261 = arith.index_cast %get3A_259 : i32 to index
    %get3A_262 = arith.index_cast %get3A_260 : i32 to index
    %get3A_263 = arith.constant 32 : index
    %get3A_264 = tpu.vector_load %arg7[%get3A_261, %get3A_262, %get3A_263] {strides = array<i32>} : memref<2x1x112xi32, #tpu.memory_space<vmem>>, vector<1x1x16xi32>,
    %get3A_265 = vector.shape_cast %get3A_264 : vector<1x1x16xi32> to vector<16xi32>
    %sub3A_266 = vector.broadcast %mul3A_0 : i32 to vector<16xi32>
    %sub3A_267 = arith.subi %get3A_265, %sub3A_266 : vector<16xi32>
    %ge3A_268 = arith.constant 0 : i32
    %ge3A_269 = vector.broadcast %ge3A_268 : i32 to vector<16xi32>
    %ge3A_270 = arith.cmpi sge, %sub3A_267, %ge3A_269 : vector<16xi32>
    %lt3A_271 = arith.constant 25000 : i32
    %lt3A_272 = vector.broadcast %lt3A_271 : i32 to vector<16xi32>
    %lt3A_273 = arith.cmpi slt, %sub3A_267, %lt3A_272 : vector<16xi32>
    %and3A_274 = arith.andi %ge3A_270, %lt3A_273 : vector<16xi1>
    %jit3A_275 = arith.constant 25000 : i32
    %broadcast_in_dim3A_276 = vector.broadcast %jit3A_275 : i32 to vector<16xi32>
    %select_n3A_277 = arith.select %and3A_274, %sub3A_267, %broadcast_in_dim3A_276 : vector<16xi1>, vector<16xi32>
    %swap3A_278 = arith.constant 1 : i32
    %swap3A_279 = arith.constant 0 : i32
    %swap3A_280 = arith.index_cast %swap3A_278 : i32 to index
    %swap3A_281 = arith.index_cast %swap3A_279 : i32 to index
    %swap3A_282 = arith.constant 32 : index
    %swap3A_283 = tpu.vector_load %arg9[%swap3A_280, %swap3A_281, %swap3A_282] {strides = array<i32>} : memref<2x1x112xi32, #tpu.memory_space<vmem>>, vector<1x1x16xi32>,
    %swap3A_284 = vector.shape_cast %swap3A_283 : vector<1x1x16xi32> to vector<16xi32>
    %swap3A_285 = vector.shape_cast %select_n3A_277 : vector<16xi32> to vector<1x1x16xi32>
    tpu.vector_store %arg9[%swap3A_280, %swap3A_281, %swap3A_282], %swap3A_285 {strides = array<i32>} : memref<2x1x112xi32, #tpu.memory_space<vmem>>, vector<1x1x16xi32>,
    %get3A_286 = arith.constant 1 : i32
    %get3A_287 = arith.constant 0 : i32
    %get3A_288 = arith.index_cast %get3A_286 : i32 to index
    %get3A_289 = arith.index_cast %get3A_287 : i32 to index
    %get3A_290 = arith.constant 48 : index
    %get3A_291 = tpu.vector_load %arg7[%get3A_288, %get3A_289, %get3A_290] {strides = array<i32>} : memref<2x1x112xi32, #tpu.memory_space<vmem>>, vector<1x1x16xi32>,
    %get3A_292 = vector.shape_cast %get3A_291 : vector<1x1x16xi32> to vector<16xi32>
    %sub3A_293 = vector.broadcast %mul3A_0 : i32 to vector<16xi32>
    %sub3A_294 = arith.subi %get3A_292, %sub3A_293 : vector<16xi32>
    %ge3A_295 = arith.constant 0 : i32
    %ge3A_296 = vector.broadcast %ge3A_295 : i32 to vector<16xi32>
    %ge3A_297 = arith.cmpi sge, %sub3A_294, %ge3A_296 : vector<16xi32>
    %lt3A_298 = arith.constant 25000 : i32
    %lt3A_299 = vector.broadcast %lt3A_298 : i32 to vector<16xi32>
    %lt3A_300 = arith.cmpi slt, %sub3A_294, %lt3A_299 : vector<16xi32>
    %and3A_301 = arith.andi %ge3A_297, %lt3A_300 : vector<16xi1>
    %jit3A_302 = arith.constant 25000 : i32
    %broadcast_in_dim3A_303 = vector.broadcast %jit3A_302 : i32 to vector<16xi32>
    %select_n3A_304 = arith.select %and3A_301, %sub3A_294, %broadcast_in_dim3A_303 : vector<16xi1>, vector<16xi32>
    %swap3A_305 = arith.constant 1 : i32
    %swap3A_306 = arith.constant 0 : i32
    %swap3A_307 = arith.index_cast %swap3A_305 : i32 to index
    %swap3A_308 = arith.index_cast %swap3A_306 : i32 to index
    %swap3A_309 = arith.constant 48 : index
    %swap3A_310 = tpu.vector_load %arg9[%swap3A_307, %swap3A_308, %swap3A_309] {strides = array<i32>} : memref<2x1x112xi32, #tpu.memory_space<vmem>>, vector<1x1x16xi32>,
    %swap3A_311 = vector.shape_cast %swap3A_310 : vector<1x1x16xi32> to vector<16xi32>
    %swap3A_312 = vector.shape_cast %select_n3A_304 : vector<16xi32> to vector<1x1x16xi32>
    tpu.vector_store %arg9[%swap3A_307, %swap3A_308, %swap3A_309], %swap3A_312 {strides = array<i32>} : memref<2x1x112xi32, #tpu.memory_space<vmem>>, vector<1x1x16xi32>,
    %get3A_313 = arith.constant 1 : i32
    %get3A_314 = arith.constant 0 : i32
    %get3A_315 = arith.index_cast %get3A_313 : i32 to index
    %get3A_316 = arith.index_cast %get3A_314 : i32 to index
    %get3A_317 = arith.constant 64 : index
    %get3A_318 = tpu.vector_load %arg7[%get3A_315, %get3A_316, %get3A_317] {strides = array<i32>} : memref<2x1x112xi32, #tpu.memory_space<vmem>>, vector<1x1x16xi32>,
    %get3A_319 = vector.shape_cast %get3A_318 : vector<1x1x16xi32> to vector<16xi32>
    %sub3A_320 = vector.broadcast %mul3A_0 : i32 to vector<16xi32>
    %sub3A_321 = arith.subi %get3A_319, %sub3A_320 : vector<16xi32>
    %ge3A_322 = arith.constant 0 : i32
    %ge3A_323 = vector.broadcast %ge3A_322 : i32 to vector<16xi32>
    %ge3A_324 = arith.cmpi sge, %sub3A_321, %ge3A_323 : vector<16xi32>
    %lt3A_325 = arith.constant 25000 : i32
    %lt3A_326 = vector.broadcast %lt3A_325 : i32 to vector<16xi32>
    %lt3A_327 = arith.cmpi slt, %sub3A_321, %lt3A_326 : vector<16xi32>
    %and3A_328 = arith.andi %ge3A_324, %lt3A_327 : vector<16xi1>
    %jit3A_329 = arith.constant 25000 : i32
    %broadcast_in_dim3A_330 = vector.broadcast %jit3A_329 : i32 to vector<16xi32>
    %select_n3A_331 = arith.select %and3A_328, %sub3A_321, %broadcast_in_dim3A_330 : vector<16xi1>, vector<16xi32>
    %swap3A_332 = arith.constant 1 : i32
    %swap3A_333 = arith.constant 0 : i32
    %swap3A_334 = arith.index_cast %swap3A_332 : i32 to index
    %swap3A_335 = arith.index_cast %swap3A_333 : i32 to index
    %swap3A_336 = arith.constant 64 : index
    %swap3A_337 = tpu.vector_load %arg9[%swap3A_334, %swap3A_335, %swap3A_336] {strides = array<i32>} : memref<2x1x112xi32, #tpu.memory_space<vmem>>, vector<1x1x16xi32>,
    %swap3A_338 = vector.shape_cast %swap3A_337 : vector<1x1x16xi32> to vector<16xi32>
    %swap3A_339 = vector.shape_cast %select_n3A_331 : vector<16xi32> to vector<1x1x16xi32>
    tpu.vector_store %arg9[%swap3A_334, %swap3A_335, %swap3A_336], %swap3A_339 {strides = array<i32>} : memref<2x1x112xi32, #tpu.memory_space<vmem>>, vector<1x1x16xi32>,
    %get3A_340 = arith.constant 1 : i32
    %get3A_341 = arith.constant 0 : i32
    %get3A_342 = arith.index_cast %get3A_340 : i32 to index
    %get3A_343 = arith.index_cast %get3A_341 : i32 to index
    %get3A_344 = arith.constant 80 : index
    %get3A_345 = tpu.vector_load %arg7[%get3A_342, %get3A_343, %get3A_344] {strides = array<i32>} : memref<2x1x112xi32, #tpu.memory_space<vmem>>, vector<1x1x16xi32>,
    %get3A_346 = vector.shape_cast %get3A_345 : vector<1x1x16xi32> to vector<16xi32>
    %sub3A_347 = vector.broadcast %mul3A_0 : i32 to vector<16xi32>
    %sub3A_348 = arith.subi %get3A_346, %sub3A_347 : vector<16xi32>
    %ge3A_349 = arith.constant 0 : i32
    %ge3A_350 = vector.broadcast %ge3A_349 : i32 to vector<16xi32>
    %ge3A_351 = arith.cmpi sge, %sub3A_348, %ge3A_350 : vector<16xi32>
    %lt3A_352 = arith.constant 25000 : i32
    %lt3A_353 = vector.broadcast %lt3A_352 : i32 to vector<16xi32>
    %lt3A_354 = arith.cmpi slt, %sub3A_348, %lt3A_353 : vector<16xi32>
    %and3A_355 = arith.andi %ge3A_351, %lt3A_354 : vector<16xi1>
    %jit3A_356 = arith.constant 25000 : i32
    %broadcast_in_dim3A_357 = vector.broadcast %jit3A_356 : i32 to vector<16xi32>
    %select_n3A_358 = arith.select %and3A_355, %sub3A_348, %broadcast_in_dim3A_357 : vector<16xi1>, vector<16xi32>
    %swap3A_359 = arith.constant 1 : i32
    %swap3A_360 = arith.constant 0 : i32
    %swap3A_361 = arith.index_cast %swap3A_359 : i32 to index
    %swap3A_362 = arith.index_cast %swap3A_360 : i32 to index
    %swap3A_363 = arith.constant 80 : index
    %swap3A_364 = tpu.vector_load %arg9[%swap3A_361, %swap3A_362, %swap3A_363] {strides = array<i32>} : memref<2x1x112xi32, #tpu.memory_space<vmem>>, vector<1x1x16xi32>,
    %swap3A_365 = vector.shape_cast %swap3A_364 : vector<1x1x16xi32> to vector<16xi32>
    %swap3A_366 = vector.shape_cast %select_n3A_358 : vector<16xi32> to vector<1x1x16xi32>
    tpu.vector_store %arg9[%swap3A_361, %swap3A_362, %swap3A_363], %swap3A_366 {strides = array<i32>} : memref<2x1x112xi32, #tpu.memory_space<vmem>>, vector<1x1x16xi32>,
    %get3A_367 = arith.constant 1 : i32
    %get3A_368 = arith.constant 0 : i32
    %get3A_369 = arith.index_cast %get3A_367 : i32 to index
    %get3A_370 = arith.index_cast %get3A_368 : i32 to index
    %get3A_371 = arith.constant 96 : index
    %get3A_372 = tpu.vector_load %arg7[%get3A_369, %get3A_370, %get3A_371] {strides = array<i32>} : memref<2x1x112xi32, #tpu.memory_space<vmem>>, vector<1x1x16xi32>,
    %get3A_373 = vector.shape_cast %get3A_372 : vector<1x1x16xi32> to vector<16xi32>
    %sub3A_374 = vector.broadcast %mul3A_0 : i32 to vector<16xi32>
    %sub3A_375 = arith.subi %get3A_373, %sub3A_374 : vector<16xi32>
    %ge3A_376 = arith.constant 0 : i32
    %ge3A_377 = vector.broadcast %ge3A_376 : i32 to vector<16xi32>
    %ge3A_378 = arith.cmpi sge, %sub3A_375, %ge3A_377 : vector<16xi32>
    %lt3A_379 = arith.constant 25000 : i32
    %lt3A_380 = vector.broadcast %lt3A_379 : i32 to vector<16xi32>
    %lt3A_381 = arith.cmpi slt, %sub3A_375, %lt3A_380 : vector<16xi32>
    %and3A_382 = arith.andi %ge3A_378, %lt3A_381 : vector<16xi1>
    %jit3A_383 = arith.constant 25000 : i32
    %broadcast_in_dim3A_384 = vector.broadcast %jit3A_383 : i32 to vector<16xi32>
    %select_n3A_385 = arith.select %and3A_382, %sub3A_375, %broadcast_in_dim3A_384 : vector<16xi1>, vector<16xi32>
    %swap3A_386 = arith.constant 1 : i32
    %swap3A_387 = arith.constant 0 : i32
    %swap3A_388 = arith.index_cast %swap3A_386 : i32 to index
    %swap3A_389 = arith.index_cast %swap3A_387 : i32 to index
    %swap3A_390 = arith.constant 96 : index
    %swap3A_391 = tpu.vector_load %arg9[%swap3A_388, %swap3A_389, %swap3A_390] {strides = array<i32>} : memref<2x1x112xi32, #tpu.memory_space<vmem>>, vector<1x1x16xi32>,
    %swap3A_392 = vector.shape_cast %swap3A_391 : vector<1x1x16xi32> to vector<16xi32>
    %swap3A_393 = vector.shape_cast %select_n3A_385 : vector<16xi32> to vector<1x1x16xi32>
    tpu.vector_store %arg9[%swap3A_388, %swap3A_389, %swap3A_390], %swap3A_393 {strides = array<i32>} : memref<2x1x112xi32, #tpu.memory_space<vmem>>, vector<1x1x16xi32>,
    %dma_start3A_394 = arith.constant 1 : i32
    %dma_start3A_395 = arith.constant 0 : i32
    %dma_start3A_396 = arith.constant 1 : i32
    %dma_start3A_397 = arith.constant 0 : i32
    %dma_start3A_398 = arith.constant 0 : i32
    %dma_start3A_399 = tpu.memref_slice %arg10[%dma_start3A_396, %dma_start3A_397, %dma_start3A_398] : memref<2x112x72xf32, #tpu.memory_space<vmem>> -> memref<1x112x72xf32, #tpu.memory_space<vmem>>
    %dma_start3A_400 = tpu.memref_squeeze %dma_start3A_399 : memref<1x112x72xf32, #tpu.memory_space<vmem>> -> memref<112x72xf32, #tpu.memory_space<vmem>>
    %dma_start3A_401 = arith.constant 0 : i32
    %dma_start3A_402 = tpu.memref_slice %arg8[%dma_start3A_394, %dma_start3A_395, %dma_start3A_401] : memref<2x1x112xi32, #tpu.memory_space<vmem>> -> memref<1x1x112xi32, #tpu.memory_space<vmem>>
    %dma_start3A_403 = tpu.memref_squeeze %dma_start3A_402 : memref<1x1x112xi32, #tpu.memory_space<vmem>> -> memref<112xi32, #tpu.memory_space<vmem>>
    %dma_start3A_404 = arith.constant 0 : i32
    %dma_start3A_405 = arith.constant 0 : i32
    %dma_start3A_406 = tpu.memref_slice %arg2[%dma_start3A_404, %dma_start3A_405] : memref<50000x72xf32, #tpu.memory_space<hbm>> -> memref<50000x72xf32, #tpu.memory_space<hbm>>
    tpu.enqueue_indirect_dma source(%dma_start3A_406 : memref<50000x72xf32, #tpu.memory_space<hbm>>) target(%dma_start3A_400 : memref<112x72xf32, #tpu.memory_space<vmem>>) offsets(%dma_start3A_403 : memref<112xi32, #tpu.memory_space<vmem>>) semaphore(%arg13 : memref<!tpu.dma_semaphore, #tpu.memory_space<semaphore_mem>>)
    %scan3A = arith.constant 0 : i32
    %scan3A_407 = arith.constant 0 : i32
    %scan3A_408 = arith.constant 224 : i32
    %scan3A_409 = arith.addi %scan3A_407, %scan3A_408 : i32
    %scan3A_410 = arith.constant 1 : i32
    scf.for %scan3A_445 = %scan3A_407 to %scan3A_409 step %scan3A_410  : i32 {
      %mul3A_446 = arith.constant 2 : i32
      %mul3A_447 = arith.muli %mul3A_446, %scan3A_445 : i32
      %add3A_448 = arith.constant 0 : i32
      %add3A_449 = arith.addi %mul3A_447, %add3A_448 : i32
      %dma_wait3A_450 = arith.constant 0 : i32
      %dma_wait3A_451 = arith.constant 0 : i32
      %dma_wait3A_452 = arith.constant 0 : i32
      %dma_wait3A_453 = arith.constant 0 : i32
      %dma_wait3A_454 = arith.constant 0 : i32
      %dma_wait3A_455 = tpu.memref_slice %arg10[%dma_wait3A_452, %dma_wait3A_453, %dma_wait3A_454] : memref<2x112x72xf32, #tpu.memory_space<vmem>> -> memref<1x112x72xf32, #tpu.memory_space<vmem>>
      %dma_wait3A_456 = tpu.memref_squeeze %dma_wait3A_455 : memref<1x112x72xf32, #tpu.memory_space<vmem>> -> memref<112x72xf32, #tpu.memory_space<vmem>>
      %dma_wait3A_457 = arith.constant 0 : i32
      %dma_wait3A_458 = tpu.memref_slice %arg8[%dma_wait3A_450, %dma_wait3A_451, %dma_wait3A_457] : memref<2x1x112xi32, #tpu.memory_space<vmem>> -> memref<1x1x112xi32, #tpu.memory_space<vmem>>
      %dma_wait3A_459 = tpu.memref_squeeze %dma_wait3A_458 : memref<1x1x112xi32, #tpu.memory_space<vmem>> -> memref<112xi32, #tpu.memory_space<vmem>>
      %dma_wait3A_460 = arith.constant 0 : i32
      %dma_wait3A_461 = arith.constant 0 : i32
      %dma_wait3A_462 = tpu.memref_slice %arg2[%dma_wait3A_460, %dma_wait3A_461] : memref<50000x72xf32, #tpu.memory_space<hbm>> -> memref<50000x72xf32, #tpu.memory_space<hbm>>
      tpu.wait_indirect_dma semaphore(%arg12 : memref<!tpu.dma_semaphore, #tpu.memory_space<semaphore_mem>>) src(%dma_wait3A_462 : memref<50000x72xf32, #tpu.memory_space<hbm>>) dst(%dma_wait3A_456 : memref<112x72xf32, #tpu.memory_space<vmem>>)
      %dma_start3A_463 = arith.constant 0 : i32
      %dma_start3A_464 = arith.constant 0 : i32
      %dma_start3A_465 = arith.constant 0 : i32
      %dma_start3A_466 = arith.constant 0 : i32
      %dma_start3A_467 = arith.constant 0 : i32
      %dma_start3A_468 = tpu.memref_slice %arg10[%dma_start3A_463, %dma_start3A_466, %dma_start3A_467] : memref<2x112x72xf32, #tpu.memory_space<vmem>> -> memref<1x112x72xf32, #tpu.memory_space<vmem>>
      %dma_start3A_469 = tpu.memref_squeeze %dma_start3A_468 : memref<1x112x72xf32, #tpu.memory_space<vmem>> -> memref<112x72xf32, #tpu.memory_space<vmem>>
      %dma_start3A_470 = arith.constant 0 : i32
      %dma_start3A_471 = tpu.memref_slice %arg9[%dma_start3A_464, %dma_start3A_465, %dma_start3A_470] : memref<2x1x112xi32, #tpu.memory_space<vmem>> -> memref<1x1x112xi32, #tpu.memory_space<vmem>>
      %dma_start3A_472 = tpu.memref_squeeze %dma_start3A_471 : memref<1x1x112xi32, #tpu.memory_space<vmem>> -> memref<112xi32, #tpu.memory_space<vmem>>
      %dma_start3A_473 = arith.constant 0 : i32
      %dma_start3A_474 = arith.constant 0 : i32
      %dma_start3A_475 = tpu.memref_slice %arg11[%dma_start3A_473, %dma_start3A_474] : memref<25088x72xf32, #tpu.memory_space<vmem_shared>> -> memref<25088x72xf32, #tpu.memory_space<vmem_shared>>
      tpu.enqueue_indirect_dma source(%dma_start3A_469 : memref<112x72xf32, #tpu.memory_space<vmem>>) target(%dma_start3A_475 : memref<25088x72xf32, #tpu.memory_space<vmem_shared>>) offsets(%dma_start3A_472 : memref<112xi32, #tpu.memory_space<vmem>>) semaphore(%arg14 : memref<!tpu.dma_semaphore, #tpu.memory_space<semaphore_mem>>) {add = true}
      %add3A_476 = arith.constant 2 : i32
      %add3A_477 = arith.addi %add3A_449, %add3A_476 : i32
      %lt3A_478 = arith.constant 448 : i32
      %lt3A_479 = arith.cmpi slt, %add3A_477, %lt3A_478 : i32
      %convert_element_type3A = arith.extui %lt3A_479 : i1 to i32
      %cond3A = arith.constant 0 : i32
      %cond3A_480 = arith.cmpi ne, %convert_element_type3A, %cond3A : i32
      scf.if %cond3A_480 {
        %dma_wait3A_518 = arith.constant 0 : i32
        %dma_wait3A_519 = arith.constant 0 : i32
        %dma_wait3A_520 = arith.constant 0 : i32
        %dma_wait3A_521 = arith.constant 0 : i32
        %dma_wait3A_522 = arith.constant 0 : i32
        %dma_wait3A_523 = tpu.memref_slice %arg10[%dma_wait3A_518, %dma_wait3A_521, %dma_wait3A_522] : memref<2x112x72xf32, #tpu.memory_space<vmem>> -> memref<1x112x72xf32, #tpu.memory_space<vmem>>
        %dma_wait3A_524 = tpu.memref_squeeze %dma_wait3A_523 : memref<1x112x72xf32, #tpu.memory_space<vmem>> -> memref<112x72xf32, #tpu.memory_space<vmem>>
        %dma_wait3A_525 = arith.constant 0 : i32
        %dma_wait3A_526 = tpu.memref_slice %arg9[%dma_wait3A_519, %dma_wait3A_520, %dma_wait3A_525] : memref<2x1x112xi32, #tpu.memory_space<vmem>> -> memref<1x1x112xi32, #tpu.memory_space<vmem>>
        %dma_wait3A_527 = tpu.memref_squeeze %dma_wait3A_526 : memref<1x1x112xi32, #tpu.memory_space<vmem>> -> memref<112xi32, #tpu.memory_space<vmem>>
        %dma_wait3A_528 = arith.constant 0 : i32
        %dma_wait3A_529 = arith.constant 0 : i32
        %dma_wait3A_530 = tpu.memref_slice %arg11[%dma_wait3A_528, %dma_wait3A_529] : memref<25088x72xf32, #tpu.memory_space<vmem_shared>> -> memref<25088x72xf32, #tpu.memory_space<vmem_shared>>
        tpu.wait_indirect_dma semaphore(%arg14 : memref<!tpu.dma_semaphore, #tpu.memory_space<semaphore_mem>>) src(%dma_wait3A_524 : memref<112x72xf32, #tpu.memory_space<vmem>>) dst(%dma_wait3A_530 : memref<25088x72xf32, #tpu.memory_space<vmem_shared>>)
        %add3A_531 = arith.constant 2 : i32
        %add3A_532 = arith.addi %add3A_449, %add3A_531 : i32
        %mul3A_533 = arith.constant 448 : i32
        %mul3A_534 = arith.muli %arg1, %mul3A_533 : i32
        %add3A_535 = arith.addi %mul3A_534, %add3A_532 : i32
        %run_scoped3A_536 = arith.constant 0 : i32
        "tpu.region"() ({
          %run_scoped3A_740 = tpu.sem_alloc : memref<!tpu.dma_semaphore, #tpu.memory_space<semaphore_mem>>
          %dma_start3A_741 = arith.constant 0 : i32
          %dma_start3A_742 = arith.constant 0 : i32
          %dma_start3A_743 = tpu.memref_slice %arg7[%run_scoped3A_536, %dma_start3A_741, %dma_start3A_742] : memref<2x1x112xi32, #tpu.memory_space<vmem>> -> memref<1x1x112xi32, #tpu.memory_space<vmem>>
          %dma_start3A_744 = tpu.memref_squeeze %dma_start3A_743 : memref<1x1x112xi32, #tpu.memory_space<vmem>> -> memref<1x112xi32, #tpu.memory_space<vmem>>
          %dma_start3A_745 = arith.constant 0 : i32
          %dma_start3A_746 = tpu.memref_slice %arg3[%add3A_535, %dma_start3A_745] : memref<7168x112xi32, #tpu.memory_space<hbm>> -> memref<1x112xi32, #tpu.memory_space<hbm>>
          %dma_start3A_747 = arith.constant 0 : i32
          %dma_start3A_748 = arith.constant 0 : i32
          %dma_start3A_749 = tpu.memref_slice %arg7[%run_scoped3A_536, %dma_start3A_747, %dma_start3A_748] : memref<2x1x112xi32, #tpu.memory_space<vmem>> -> memref<1x1x112xi32, #tpu.memory_space<vmem>>
          %dma_start3A_750 = tpu.memref_squeeze %dma_start3A_749 : memref<1x1x112xi32, #tpu.memory_space<vmem>> -> memref<1x112xi32, #tpu.memory_space<vmem>>
          %dma_start3A_751 = arith.constant 0 : i32
          %dma_start3A_752 = tpu.memref_slice %arg3[%add3A_535, %dma_start3A_751] : memref<7168x112xi32, #tpu.memory_space<hbm>> -> memref<1x112xi32, #tpu.memory_space<hbm>>
          tpu.enqueue_dma source(%dma_start3A_752 : memref<1x112xi32, #tpu.memory_space<hbm>>) target(%dma_start3A_750 : memref<1x112xi32, #tpu.memory_space<vmem>>) target_semaphore(%run_scoped3A_740 : memref<!tpu.dma_semaphore, #tpu.memory_space<semaphore_mem>>)
          %dma_wait3A_753 = arith.constant 0 : i32
          %dma_wait3A_754 = arith.constant 0 : i32
          %dma_wait3A_755 = tpu.memref_slice %arg7[%run_scoped3A_536, %dma_wait3A_753, %dma_wait3A_754] : memref<2x1x112xi32, #tpu.memory_space<vmem>> -> memref<1x1x112xi32, #tpu.memory_space<vmem>>
          %dma_wait3A_756 = tpu.memref_squeeze %dma_wait3A_755 : memref<1x1x112xi32, #tpu.memory_space<vmem>> -> memref<1x112xi32, #tpu.memory_space<vmem>>
          %dma_wait3A_757 = arith.constant 0 : i32
          %dma_wait3A_758 = tpu.memref_slice %arg3[%add3A_535, %dma_wait3A_757] : memref<7168x112xi32, #tpu.memory_space<hbm>> -> memref<1x112xi32, #tpu.memory_space<hbm>>
          %dma_wait3A_759 = arith.constant 0 : i32
          %dma_wait3A_760 = arith.constant 0 : i32
          %dma_wait3A_761 = tpu.memref_slice %arg7[%run_scoped3A_536, %dma_wait3A_759, %dma_wait3A_760] : memref<2x1x112xi32, #tpu.memory_space<vmem>> -> memref<1x1x112xi32, #tpu.memory_space<vmem>>
          %dma_wait3A_762 = tpu.memref_squeeze %dma_wait3A_761 : memref<1x1x112xi32, #tpu.memory_space<vmem>> -> memref<1x112xi32, #tpu.memory_space<vmem>>
          %dma_wait3A_763 = arith.constant 0 : i32
          %dma_wait3A_764 = tpu.memref_slice %arg3[%add3A_535, %dma_wait3A_763] : memref<7168x112xi32, #tpu.memory_space<hbm>> -> memref<1x112xi32, #tpu.memory_space<hbm>>
          tpu.wait_dma2 semaphore(%run_scoped3A_740 : memref<!tpu.dma_semaphore, #tpu.memory_space<semaphore_mem>>) src(%dma_wait3A_764 : memref<1x112xi32, #tpu.memory_space<hbm>>) dst(%dma_wait3A_762 : memref<1x112xi32, #tpu.memory_space<vmem>>)
          tpu.yield
        }) : () -> ()
        %run_scoped3A_537 = arith.constant 0 : i32
        "tpu.region"() ({
          %run_scoped3A_740 = tpu.sem_alloc : memref<!tpu.dma_semaphore, #tpu.memory_space<semaphore_mem>>
          %dma_start3A_741 = arith.constant 0 : i32
          %dma_start3A_742 = arith.constant 0 : i32
          %dma_start3A_743 = tpu.memref_slice %arg8[%run_scoped3A_537, %dma_start3A_741, %dma_start3A_742] : memref<2x1x112xi32, #tpu.memory_space<vmem>> -> memref<1x1x112xi32, #tpu.memory_space<vmem>>
          %dma_start3A_744 = tpu.memref_squeeze %dma_start3A_743 : memref<1x1x112xi32, #tpu.memory_space<vmem>> -> memref<1x112xi32, #tpu.memory_space<vmem>>
          %dma_start3A_745 = arith.constant 0 : i32
          %dma_start3A_746 = tpu.memref_slice %arg4[%add3A_535, %dma_start3A_745] : memref<7168x112xi32, #tpu.memory_space<hbm>> -> memref<1x112xi32, #tpu.memory_space<hbm>>
          %dma_start3A_747 = arith.constant 0 : i32
          %dma_start3A_748 = arith.constant 0 : i32
          %dma_start3A_749 = tpu.memref_slice %arg8[%run_scoped3A_537, %dma_start3A_747, %dma_start3A_748] : memref<2x1x112xi32, #tpu.memory_space<vmem>> -> memref<1x1x112xi32, #tpu.memory_space<vmem>>
          %dma_start3A_750 = tpu.memref_squeeze %dma_start3A_749 : memref<1x1x112xi32, #tpu.memory_space<vmem>> -> memref<1x112xi32, #tpu.memory_space<vmem>>
          %dma_start3A_751 = arith.constant 0 : i32
          %dma_start3A_752 = tpu.memref_slice %arg4[%add3A_535, %dma_start3A_751] : memref<7168x112xi32, #tpu.memory_space<hbm>> -> memref<1x112xi32, #tpu.memory_space<hbm>>
          tpu.enqueue_dma source(%dma_start3A_752 : memref<1x112xi32, #tpu.memory_space<hbm>>) target(%dma_start3A_750 : memref<1x112xi32, #tpu.memory_space<vmem>>) target_semaphore(%run_scoped3A_740 : memref<!tpu.dma_semaphore, #tpu.memory_space<semaphore_mem>>)
          %dma_wait3A_753 = arith.constant 0 : i32
          %dma_wait3A_754 = arith.constant 0 : i32
          %dma_wait3A_755 = tpu.memref_slice %arg8[%run_scoped3A_537, %dma_wait3A_753, %dma_wait3A_754] : memref<2x1x112xi32, #tpu.memory_space<vmem>> -> memref<1x1x112xi32, #tpu.memory_space<vmem>>
          %dma_wait3A_756 = tpu.memref_squeeze %dma_wait3A_755 : memref<1x1x112xi32, #tpu.memory_space<vmem>> -> memref<1x112xi32, #tpu.memory_space<vmem>>
          %dma_wait3A_757 = arith.constant 0 : i32
          %dma_wait3A_758 = tpu.memref_slice %arg4[%add3A_535, %dma_wait3A_757] : memref<7168x112xi32, #tpu.memory_space<hbm>> -> memref<1x112xi32, #tpu.memory_space<hbm>>
          %dma_wait3A_759 = arith.constant 0 : i32
          %dma_wait3A_760 = arith.constant 0 : i32
          %dma_wait3A_761 = tpu.memref_slice %arg8[%run_scoped3A_537, %dma_wait3A_759, %dma_wait3A_760] : memref<2x1x112xi32, #tpu.memory_space<vmem>> -> memref<1x1x112xi32, #tpu.memory_space<vmem>>
          %dma_wait3A_762 = tpu.memref_squeeze %dma_wait3A_761 : memref<1x1x112xi32, #tpu.memory_space<vmem>> -> memref<1x112xi32, #tpu.memory_space<vmem>>
          %dma_wait3A_763 = arith.constant 0 : i32
          %dma_wait3A_764 = tpu.memref_slice %arg4[%add3A_535, %dma_wait3A_763] : memref<7168x112xi32, #tpu.memory_space<hbm>> -> memref<1x112xi32, #tpu.memory_space<hbm>>
          tpu.wait_dma2 semaphore(%run_scoped3A_740 : memref<!tpu.dma_semaphore, #tpu.memory_space<semaphore_mem>>) src(%dma_wait3A_764 : memref<1x112xi32, #tpu.memory_space<hbm>>) dst(%dma_wait3A_762 : memref<1x112xi32, #tpu.memory_space<vmem>>)
          tpu.yield
        }) : () -> ()
        %get3A_538 = arith.constant 0 : i32
        %get3A_539 = arith.constant 0 : i32
        %get3A_540 = arith.index_cast %get3A_538 : i32 to index
        %get3A_541 = arith.index_cast %get3A_539 : i32 to index
        %get3A_542 = arith.constant 0 : index
        %get3A_543 = tpu.vector_load %arg7[%get3A_540, %get3A_541, %get3A_542] {strides = array<i32>} : memref<2x1x112xi32, #tpu.memory_space<vmem>>, vector<1x1x16xi32>,
        %get3A_544 = vector.shape_cast %get3A_543 : vector<1x1x16xi32> to vector<16xi32>
        %sub3A_545 = vector.broadcast %mul3A_0 : i32 to vector<16xi32>
        %sub3A_546 = arith.subi %get3A_544, %sub3A_545 : vector<16xi32>
        %ge3A_547 = arith.constant 0 : i32
        %ge3A_548 = vector.broadcast %ge3A_547 : i32 to vector<16xi32>
        %ge3A_549 = arith.cmpi sge, %sub3A_546, %ge3A_548 : vector<16xi32>
        %lt3A_550 = arith.constant 25000 : i32
        %lt3A_551 = vector.broadcast %lt3A_550 : i32 to vector<16xi32>
        %lt3A_552 = arith.cmpi slt, %sub3A_546, %lt3A_551 : vector<16xi32>
        %and3A_553 = arith.andi %ge3A_549, %lt3A_552 : vector<16xi1>
        %jit3A_554 = arith.constant 25000 : i32
        %broadcast_in_dim3A_555 = vector.broadcast %jit3A_554 : i32 to vector<16xi32>
        %select_n3A_556 = arith.select %and3A_553, %sub3A_546, %broadcast_in_dim3A_555 : vector<16xi1>, vector<16xi32>
        %swap3A_557 = arith.constant 0 : i32
        %swap3A_558 = arith.constant 0 : i32
        %swap3A_559 = arith.index_cast %swap3A_557 : i32 to index
        %swap3A_560 = arith.index_cast %swap3A_558 : i32 to index
        %swap3A_561 = arith.constant 0 : index
        %swap3A_562 = tpu.vector_load %arg9[%swap3A_559, %swap3A_560, %swap3A_561] {strides = array<i32>} : memref<2x1x112xi32, #tpu.memory_space<vmem>>, vector<1x1x16xi32>,
        %swap3A_563 = vector.shape_cast %swap3A_562 : vector<1x1x16xi32> to vector<16xi32>
        %swap3A_564 = vector.shape_cast %select_n3A_556 : vector<16xi32> to vector<1x1x16xi32>
        tpu.vector_store %arg9[%swap3A_559, %swap3A_560, %swap3A_561], %swap3A_564 {strides = array<i32>} : memref<2x1x112xi32, #tpu.memory_space<vmem>>, vector<1x1x16xi32>,
        %get3A_565 = arith.constant 0 : i32
        %get3A_566 = arith.constant 0 : i32
        %get3A_567 = arith.index_cast %get3A_565 : i32 to index
        %get3A_568 = arith.index_cast %get3A_566 : i32 to index
        %get3A_569 = arith.constant 16 : index
        %get3A_570 = tpu.vector_load %arg7[%get3A_567, %get3A_568, %get3A_569] {strides = array<i32>} : memref<2x1x112xi32, #tpu.memory_space<vmem>>, vector<1x1x16xi32>,
        %get3A_571 = vector.shape_cast %get3A_570 : vector<1x1x16xi32> to vector<16xi32>
        %sub3A_572 = vector.broadcast %mul3A_0 : i32 to vector<16xi32>
        %sub3A_573 = arith.subi %get3A_571, %sub3A_572 : vector<16xi32>
        %ge3A_574 = arith.constant 0 : i32
        %ge3A_575 = vector.broadcast %ge3A_574 : i32 to vector<16xi32>
        %ge3A_576 = arith.cmpi sge, %sub3A_573, %ge3A_575 : vector<16xi32>
        %lt3A_577 = arith.constant 25000 : i32
        %lt3A_578 = vector.broadcast %lt3A_577 : i32 to vector<16xi32>
        %lt3A_579 = arith.cmpi slt, %sub3A_573, %lt3A_578 : vector<16xi32>
        %and3A_580 = arith.andi %ge3A_576, %lt3A_579 : vector<16xi1>
        %jit3A_581 = arith.constant 25000 : i32
        %broadcast_in_dim3A_582 = vector.broadcast %jit3A_581 : i32 to vector<16xi32>
        %select_n3A_583 = arith.select %and3A_580, %sub3A_573, %broadcast_in_dim3A_582 : vector<16xi1>, vector<16xi32>
        %swap3A_584 = arith.constant 0 : i32
        %swap3A_585 = arith.constant 0 : i32
        %swap3A_586 = arith.index_cast %swap3A_584 : i32 to index
        %swap3A_587 = arith.index_cast %swap3A_585 : i32 to index
        %swap3A_588 = arith.constant 16 : index
        %swap3A_589 = tpu.vector_load %arg9[%swap3A_586, %swap3A_587, %swap3A_588] {strides = array<i32>} : memref<2x1x112xi32, #tpu.memory_space<vmem>>, vector<1x1x16xi32>,
        %swap3A_590 = vector.shape_cast %swap3A_589 : vector<1x1x16xi32> to vector<16xi32>
        %swap3A_591 = vector.shape_cast %select_n3A_583 : vector<16xi32> to vector<1x1x16xi32>
        tpu.vector_store %arg9[%swap3A_586, %swap3A_587, %swap3A_588], %swap3A_591 {strides = array<i32>} : memref<2x1x112xi32, #tpu.memory_space<vmem>>, vector<1x1x16xi32>,
        %get3A_592 = arith.constant 0 : i32
        %get3A_593 = arith.constant 0 : i32
        %get3A_594 = arith.index_cast %get3A_592 : i32 to index
        %get3A_595 = arith.index_cast %get3A_593 : i32 to index
        %get3A_596 = arith.constant 32 : index
        %get3A_597 = tpu.vector_load %arg7[%get3A_594, %get3A_595, %get3A_596] {strides = array<i32>} : memref<2x1x112xi32, #tpu.memory_space<vmem>>, vector<1x1x16xi32>,
        %get3A_598 = vector.shape_cast %get3A_597 : vector<1x1x16xi32> to vector<16xi32>
        %sub3A_599 = vector.broadcast %mul3A_0 : i32 to vector<16xi32>
        %sub3A_600 = arith.subi %get3A_598, %sub3A_599 : vector<16xi32>
        %ge3A_601 = arith.constant 0 : i32
        %ge3A_602 = vector.broadcast %ge3A_601 : i32 to vector<16xi32>
        %ge3A_603 = arith.cmpi sge, %sub3A_600, %ge3A_602 : vector<16xi32>
        %lt3A_604 = arith.constant 25000 : i32
        %lt3A_605 = vector.broadcast %lt3A_604 : i32 to vector<16xi32>
        %lt3A_606 = arith.cmpi slt, %sub3A_600, %lt3A_605 : vector<16xi32>
        %and3A_607 = arith.andi %ge3A_603, %lt3A_606 : vector<16xi1>
        %jit3A_608 = arith.constant 25000 : i32
        %broadcast_in_dim3A_609 = vector.broadcast %jit3A_608 : i32 to vector<16xi32>
        %select_n3A_610 = arith.select %and3A_607, %sub3A_600, %broadcast_in_dim3A_609 : vector<16xi1>, vector<16xi32>
        %swap3A_611 = arith.constant 0 : i32
        %swap3A_612 = arith.constant 0 : i32
        %swap3A_613 = arith.index_cast %swap3A_611 : i32 to index
        %swap3A_614 = arith.index_cast %swap3A_612 : i32 to index
        %swap3A_615 = arith.constant 32 : index
        %swap3A_616 = tpu.vector_load %arg9[%swap3A_613, %swap3A_614, %swap3A_615] {strides = array<i32>} : memref<2x1x112xi32, #tpu.memory_space<vmem>>, vector<1x1x16xi32>,
        %swap3A_617 = vector.shape_cast %swap3A_616 : vector<1x1x16xi32> to vector<16xi32>
        %swap3A_618 = vector.shape_cast %select_n3A_610 : vector<16xi32> to vector<1x1x16xi32>
        tpu.vector_store %arg9[%swap3A_613, %swap3A_614, %swap3A_615], %swap3A_618 {strides = array<i32>} : memref<2x1x112xi32, #tpu.memory_space<vmem>>, vector<1x1x16xi32>,
        %get3A_619 = arith.constant 0 : i32
        %get3A_620 = arith.constant 0 : i32
        %get3A_621 = arith.index_cast %get3A_619 : i32 to index
        %get3A_622 = arith.index_cast %get3A_620 : i32 to index
        %get3A_623 = arith.constant 48 : index
        %get3A_624 = tpu.vector_load %arg7[%get3A_621, %get3A_622, %get3A_623] {strides = array<i32>} : memref<2x1x112xi32, #tpu.memory_space<vmem>>, vector<1x1x16xi32>,
        %get3A_625 = vector.shape_cast %get3A_624 : vector<1x1x16xi32> to vector<16xi32>
        %sub3A_626 = vector.broadcast %mul3A_0 : i32 to vector<16xi32>
        %sub3A_627 = arith.subi %get3A_625, %sub3A_626 : vector<16xi32>
        %ge3A_628 = arith.constant 0 : i32
        %ge3A_629 = vector.broadcast %ge3A_628 : i32 to vector<16xi32>
        %ge3A_630 = arith.cmpi sge, %sub3A_627, %ge3A_629 : vector<16xi32>
        %lt3A_631 = arith.constant 25000 : i32
        %lt3A_632 = vector.broadcast %lt3A_631 : i32 to vector<16xi32>
        %lt3A_633 = arith.cmpi slt, %sub3A_627, %lt3A_632 : vector<16xi32>
        %and3A_634 = arith.andi %ge3A_630, %lt3A_633 : vector<16xi1>
        %jit3A_635 = arith.constant 25000 : i32
        %broadcast_in_dim3A_636 = vector.broadcast %jit3A_635 : i32 to vector<16xi32>
        %select_n3A_637 = arith.select %and3A_634, %sub3A_627, %broadcast_in_dim3A_636 : vector<16xi1>, vector<16xi32>
        %swap3A_638 = arith.constant 0 : i32
        %swap3A_639 = arith.constant 0 : i32
        %swap3A_640 = arith.index_cast %swap3A_638 : i32 to index
        %swap3A_641 = arith.index_cast %swap3A_639 : i32 to index
        %swap3A_642 = arith.constant 48 : index
        %swap3A_643 = tpu.vector_load %arg9[%swap3A_640, %swap3A_641, %swap3A_642] {strides = array<i32>} : memref<2x1x112xi32, #tpu.memory_space<vmem>>, vector<1x1x16xi32>,
        %swap3A_644 = vector.shape_cast %swap3A_643 : vector<1x1x16xi32> to vector<16xi32>
        %swap3A_645 = vector.shape_cast %select_n3A_637 : vector<16xi32> to vector<1x1x16xi32>
        tpu.vector_store %arg9[%swap3A_640, %swap3A_641, %swap3A_642], %swap3A_645 {strides = array<i32>} : memref<2x1x112xi32, #tpu.memory_space<vmem>>, vector<1x1x16xi32>,
        %get3A_646 = arith.constant 0 : i32
        %get3A_647 = arith.constant 0 : i32
        %get3A_648 = arith.index_cast %get3A_646 : i32 to index
        %get3A_649 = arith.index_cast %get3A_647 : i32 to index
        %get3A_650 = arith.constant 64 : index
        %get3A_651 = tpu.vector_load %arg7[%get3A_648, %get3A_649, %get3A_650] {strides = array<i32>} : memref<2x1x112xi32, #tpu.memory_space<vmem>>, vector<1x1x16xi32>,
        %get3A_652 = vector.shape_cast %get3A_651 : vector<1x1x16xi32> to vector<16xi32>
        %sub3A_653 = vector.broadcast %mul3A_0 : i32 to vector<16xi32>
        %sub3A_654 = arith.subi %get3A_652, %sub3A_653 : vector<16xi32>
        %ge3A_655 = arith.constant 0 : i32
        %ge3A_656 = vector.broadcast %ge3A_655 : i32 to vector<16xi32>
        %ge3A_657 = arith.cmpi sge, %sub3A_654, %ge3A_656 : vector<16xi32>
        %lt3A_658 = arith.constant 25000 : i32
        %lt3A_659 = vector.broadcast %lt3A_658 : i32 to vector<16xi32>
        %lt3A_660 = arith.cmpi slt, %sub3A_654, %lt3A_659 : vector<16xi32>
        %and3A_661 = arith.andi %ge3A_657, %lt3A_660 : vector<16xi1>
        %jit3A_662 = arith.constant 25000 : i32
        %broadcast_in_dim3A_663 = vector.broadcast %jit3A_662 : i32 to vector<16xi32>
        %select_n3A_664 = arith.select %and3A_661, %sub3A_654, %broadcast_in_dim3A_663 : vector<16xi1>, vector<16xi32>
        %swap3A_665 = arith.constant 0 : i32
        %swap3A_666 = arith.constant 0 : i32
        %swap3A_667 = arith.index_cast %swap3A_665 : i32 to index
        %swap3A_668 = arith.index_cast %swap3A_666 : i32 to index
        %swap3A_669 = arith.constant 64 : index
        %swap3A_670 = tpu.vector_load %arg9[%swap3A_667, %swap3A_668, %swap3A_669] {strides = array<i32>} : memref<2x1x112xi32, #tpu.memory_space<vmem>>, vector<1x1x16xi32>,
        %swap3A_671 = vector.shape_cast %swap3A_670 : vector<1x1x16xi32> to vector<16xi32>
        %swap3A_672 = vector.shape_cast %select_n3A_664 : vector<16xi32> to vector<1x1x16xi32>
        tpu.vector_store %arg9[%swap3A_667, %swap3A_668, %swap3A_669], %swap3A_672 {strides = array<i32>} : memref<2x1x112xi32, #tpu.memory_space<vmem>>, vector<1x1x16xi32>,
        %get3A_673 = arith.constant 0 : i32
        %get3A_674 = arith.constant 0 : i32
        %get3A_675 = arith.index_cast %get3A_673 : i32 to index
        %get3A_676 = arith.index_cast %get3A_674 : i32 to index
        %get3A_677 = arith.constant 80 : index
        %get3A_678 = tpu.vector_load %arg7[%get3A_675, %get3A_676, %get3A_677] {strides = array<i32>} : memref<2x1x112xi32, #tpu.memory_space<vmem>>, vector<1x1x16xi32>,
        %get3A_679 = vector.shape_cast %get3A_678 : vector<1x1x16xi32> to vector<16xi32>
        %sub3A_680 = vector.broadcast %mul3A_0 : i32 to vector<16xi32>
        %sub3A_681 = arith.subi %get3A_679, %sub3A_680 : vector<16xi32>
        %ge3A_682 = arith.constant 0 : i32
        %ge3A_683 = vector.broadcast %ge3A_682 : i32 to vector<16xi32>
        %ge3A_684 = arith.cmpi sge, %sub3A_681, %ge3A_683 : vector<16xi32>
        %lt3A_685 = arith.constant 25000 : i32
        %lt3A_686 = vector.broadcast %lt3A_685 : i32 to vector<16xi32>
        %lt3A_687 = arith.cmpi slt, %sub3A_681, %lt3A_686 : vector<16xi32>
        %and3A_688 = arith.andi %ge3A_684, %lt3A_687 : vector<16xi1>
        %jit3A_689 = arith.constant 25000 : i32
        %broadcast_in_dim3A_690 = vector.broadcast %jit3A_689 : i32 to vector<16xi32>
        %select_n3A_691 = arith.select %and3A_688, %sub3A_681, %broadcast_in_dim3A_690 : vector<16xi1>, vector<16xi32>
        %swap3A_692 = arith.constant 0 : i32
        %swap3A_693 = arith.constant 0 : i32
        %swap3A_694 = arith.index_cast %swap3A_692 : i32 to index
        %swap3A_695 = arith.index_cast %swap3A_693 : i32 to index
        %swap3A_696 = arith.constant 80 : index
        %swap3A_697 = tpu.vector_load %arg9[%swap3A_694, %swap3A_695, %swap3A_696] {strides = array<i32>} : memref<2x1x112xi32, #tpu.memory_space<vmem>>, vector<1x1x16xi32>,
        %swap3A_698 = vector.shape_cast %swap3A_697 : vector<1x1x16xi32> to vector<16xi32>
        %swap3A_699 = vector.shape_cast %select_n3A_691 : vector<16xi32> to vector<1x1x16xi32>
        tpu.vector_store %arg9[%swap3A_694, %swap3A_695, %swap3A_696], %swap3A_699 {strides = array<i32>} : memref<2x1x112xi32, #tpu.memory_space<vmem>>, vector<1x1x16xi32>,
        %get3A_700 = arith.constant 0 : i32
        %get3A_701 = arith.constant 0 : i32
        %get3A_702 = arith.index_cast %get3A_700 : i32 to index
        %get3A_703 = arith.index_cast %get3A_701 : i32 to index
        %get3A_704 = arith.constant 96 : index
        %get3A_705 = tpu.vector_load %arg7[%get3A_702, %get3A_703, %get3A_704] {strides = array<i32>} : memref<2x1x112xi32, #tpu.memory_space<vmem>>, vector<1x1x16xi32>,
        %get3A_706 = vector.shape_cast %get3A_705 : vector<1x1x16xi32> to vector<16xi32>
        %sub3A_707 = vector.broadcast %mul3A_0 : i32 to vector<16xi32>
        %sub3A_708 = arith.subi %get3A_706, %sub3A_707 : vector<16xi32>
        %ge3A_709 = arith.constant 0 : i32
        %ge3A_710 = vector.broadcast %ge3A_709 : i32 to vector<16xi32>
        %ge3A_711 = arith.cmpi sge, %sub3A_708, %ge3A_710 : vector<16xi32>
        %lt3A_712 = arith.constant 25000 : i32
        %lt3A_713 = vector.broadcast %lt3A_712 : i32 to vector<16xi32>
        %lt3A_714 = arith.cmpi slt, %sub3A_708, %lt3A_713 : vector<16xi32>
        %and3A_715 = arith.andi %ge3A_711, %lt3A_714 : vector<16xi1>
        %jit3A_716 = arith.constant 25000 : i32
        %broadcast_in_dim3A_717 = vector.broadcast %jit3A_716 : i32 to vector<16xi32>
        %select_n3A_718 = arith.select %and3A_715, %sub3A_708, %broadcast_in_dim3A_717 : vector<16xi1>, vector<16xi32>
        %swap3A_719 = arith.constant 0 : i32
        %swap3A_720 = arith.constant 0 : i32
        %swap3A_721 = arith.index_cast %swap3A_719 : i32 to index
        %swap3A_722 = arith.index_cast %swap3A_720 : i32 to index
        %swap3A_723 = arith.constant 96 : index
        %swap3A_724 = tpu.vector_load %arg9[%swap3A_721, %swap3A_722, %swap3A_723] {strides = array<i32>} : memref<2x1x112xi32, #tpu.memory_space<vmem>>, vector<1x1x16xi32>,
        %swap3A_725 = vector.shape_cast %swap3A_724 : vector<1x1x16xi32> to vector<16xi32>
        %swap3A_726 = vector.shape_cast %select_n3A_718 : vector<16xi32> to vector<1x1x16xi32>
        tpu.vector_store %arg9[%swap3A_721, %swap3A_722, %swap3A_723], %swap3A_726 {strides = array<i32>} : memref<2x1x112xi32, #tpu.memory_space<vmem>>, vector<1x1x16xi32>,
        %dma_start3A_727 = arith.constant 0 : i32
        %dma_start3A_728 = arith.constant 0 : i32
        %dma_start3A_729 = arith.constant 0 : i32
        %dma_start3A_730 = arith.constant 0 : i32
        %dma_start3A_731 = arith.constant 0 : i32
        %dma_start3A_732 = tpu.memref_slice %arg10[%dma_start3A_729, %dma_start3A_730, %dma_start3A_731] : memref<2x112x72xf32, #tpu.memory_space<vmem>> -> memref<1x112x72xf32, #tpu.memory_space<vmem>>
        %dma_start3A_733 = tpu.memref_squeeze %dma_start3A_732 : memref<1x112x72xf32, #tpu.memory_space<vmem>> -> memref<112x72xf32, #tpu.memory_space<vmem>>
        %dma_start3A_734 = arith.constant 0 : i32
        %dma_start3A_735 = tpu.memref_slice %arg8[%dma_start3A_727, %dma_start3A_728, %dma_start3A_734] : memref<2x1x112xi32, #tpu.memory_space<vmem>> -> memref<1x1x112xi32, #tpu.memory_space<vmem>>
        %dma_start3A_736 = tpu.memref_squeeze %dma_start3A_735 : memref<1x1x112xi32, #tpu.memory_space<vmem>> -> memref<112xi32, #tpu.memory_space<vmem>>
        %dma_start3A_737 = arith.constant 0 : i32
        %dma_start3A_738 = arith.constant 0 : i32
        %dma_start3A_739 = tpu.memref_slice %arg2[%dma_start3A_737, %dma_start3A_738] : memref<50000x72xf32, #tpu.memory_space<hbm>> -> memref<50000x72xf32, #tpu.memory_space<hbm>>
        tpu.enqueue_indirect_dma source(%dma_start3A_739 : memref<50000x72xf32, #tpu.memory_space<hbm>>) target(%dma_start3A_733 : memref<112x72xf32, #tpu.memory_space<vmem>>) offsets(%dma_start3A_736 : memref<112xi32, #tpu.memory_space<vmem>>) semaphore(%arg12 : memref<!tpu.dma_semaphore, #tpu.memory_space<semaphore_mem>>)
      } else {
      }
      %mul3A_481 = arith.constant 2 : i32
      %mul3A_482 = arith.muli %mul3A_481, %scan3A_445 : i32
      %add3A_483 = arith.constant 1 : i32
      %add3A_484 = arith.addi %mul3A_482, %add3A_483 : i32
      %dma_wait3A_485 = arith.constant 1 : i32
      %dma_wait3A_486 = arith.constant 0 : i32
      %dma_wait3A_487 = arith.constant 1 : i32
      %dma_wait3A_488 = arith.constant 0 : i32
      %dma_wait3A_489 = arith.constant 0 : i32
      %dma_wait3A_490 = tpu.memref_slice %arg10[%dma_wait3A_487, %dma_wait3A_488, %dma_wait3A_489] : memref<2x112x72xf32, #tpu.memory_space<vmem>> -> memref<1x112x72xf32, #tpu.memory_space<vmem>>
      %dma_wait3A_491 = tpu.memref_squeeze %dma_wait3A_490 : memref<1x112x72xf32, #tpu.memory_space<vmem>> -> memref<112x72xf32, #tpu.memory_space<vmem>>
      %dma_wait3A_492 = arith.constant 0 : i32
      %dma_wait3A_493 = tpu.memref_slice %arg8[%dma_wait3A_485, %dma_wait3A_486, %dma_wait3A_492] : memref<2x1x112xi32, #tpu.memory_space<vmem>> -> memref<1x1x112xi32, #tpu.memory_space<vmem>>
      %dma_wait3A_494 = tpu.memref_squeeze %dma_wait3A_493 : memref<1x1x112xi32, #tpu.memory_space<vmem>> -> memref<112xi32, #tpu.memory_space<vmem>>
      %dma_wait3A_495 = arith.constant 0 : i32
      %dma_wait3A_496 = arith.constant 0 : i32
      %dma_wait3A_497 = tpu.memref_slice %arg2[%dma_wait3A_495, %dma_wait3A_496] : memref<50000x72xf32, #tpu.memory_space<hbm>> -> memref<50000x72xf32, #tpu.memory_space<hbm>>
      tpu.wait_indirect_dma semaphore(%arg13 : memref<!tpu.dma_semaphore, #tpu.memory_space<semaphore_mem>>) src(%dma_wait3A_497 : memref<50000x72xf32, #tpu.memory_space<hbm>>) dst(%dma_wait3A_491 : memref<112x72xf32, #tpu.memory_space<vmem>>)
      %dma_start3A_498 = arith.constant 1 : i32
      %dma_start3A_499 = arith.constant 1 : i32
      %dma_start3A_500 = arith.constant 0 : i32
      %dma_start3A_501 = arith.constant 0 : i32
      %dma_start3A_502 = arith.constant 0 : i32
      %dma_start3A_503 = tpu.memref_slice %arg10[%dma_start3A_498, %dma_start3A_501, %dma_start3A_502] : memref<2x112x72xf32, #tpu.memory_space<vmem>> -> memref<1x112x72xf32, #tpu.memory_space<vmem>>
      %dma_start3A_504 = tpu.memref_squeeze %dma_start3A_503 : memref<1x112x72xf32, #tpu.memory_space<vmem>> -> memref<112x72xf32, #tpu.memory_space<vmem>>
      %dma_start3A_505 = arith.constant 0 : i32
      %dma_start3A_506 = tpu.memref_slice %arg9[%dma_start3A_499, %dma_start3A_500, %dma_start3A_505] : memref<2x1x112xi32, #tpu.memory_space<vmem>> -> memref<1x1x112xi32, #tpu.memory_space<vmem>>
      %dma_start3A_507 = tpu.memref_squeeze %dma_start3A_506 : memref<1x1x112xi32, #tpu.memory_space<vmem>> -> memref<112xi32, #tpu.memory_space<vmem>>
      %dma_start3A_508 = arith.constant 0 : i32
      %dma_start3A_509 = arith.constant 0 : i32
      %dma_start3A_510 = tpu.memref_slice %arg11[%dma_start3A_508, %dma_start3A_509] : memref<25088x72xf32, #tpu.memory_space<vmem_shared>> -> memref<25088x72xf32, #tpu.memory_space<vmem_shared>>
      tpu.enqueue_indirect_dma source(%dma_start3A_504 : memref<112x72xf32, #tpu.memory_space<vmem>>) target(%dma_start3A_510 : memref<25088x72xf32, #tpu.memory_space<vmem_shared>>) offsets(%dma_start3A_507 : memref<112xi32, #tpu.memory_space<vmem>>) semaphore(%arg15 : memref<!tpu.dma_semaphore, #tpu.memory_space<semaphore_mem>>) {add = true}
      %add3A_511 = arith.constant 2 : i32
      %add3A_512 = arith.addi %add3A_484, %add3A_511 : i32
      %lt3A_513 = arith.constant 448 : i32
      %lt3A_514 = arith.cmpi slt, %add3A_512, %lt3A_513 : i32
      %convert_element_type3A_515 = arith.extui %lt3A_514 : i1 to i32
      %cond3A_516 = arith.constant 0 : i32
      %cond3A_517 = arith.cmpi ne, %convert_element_type3A_515, %cond3A_516 : i32
      scf.if %cond3A_517 {
        %dma_wait3A_518 = arith.constant 1 : i32
        %dma_wait3A_519 = arith.constant 1 : i32
        %dma_wait3A_520 = arith.constant 0 : i32
        %dma_wait3A_521 = arith.constant 0 : i32
        %dma_wait3A_522 = arith.constant 0 : i32
        %dma_wait3A_523 = tpu.memref_slice %arg10[%dma_wait3A_518, %dma_wait3A_521, %dma_wait3A_522] : memref<2x112x72xf32, #tpu.memory_space<vmem>> -> memref<1x112x72xf32, #tpu.memory_space<vmem>>
        %dma_wait3A_524 = tpu.memref_squeeze %dma_wait3A_523 : memref<1x112x72xf32, #tpu.memory_space<vmem>> -> memref<112x72xf32, #tpu.memory_space<vmem>>
        %dma_wait3A_525 = arith.constant 0 : i32
        %dma_wait3A_526 = tpu.memref_slice %arg9[%dma_wait3A_519, %dma_wait3A_520, %dma_wait3A_525] : memref<2x1x112xi32, #tpu.memory_space<vmem>> -> memref<1x1x112xi32, #tpu.memory_space<vmem>>
        %dma_wait3A_527 = tpu.memref_squeeze %dma_wait3A_526 : memref<1x1x112xi32, #tpu.memory_space<vmem>> -> memref<112xi32, #tpu.memory_space<vmem>>
        %dma_wait3A_528 = arith.constant 0 : i32
        %dma_wait3A_529 = arith.constant 0 : i32
        %dma_wait3A_530 = tpu.memref_slice %arg11[%dma_wait3A_528, %dma_wait3A_529] : memref<25088x72xf32, #tpu.memory_space<vmem_shared>> -> memref<25088x72xf32, #tpu.memory_space<vmem_shared>>
        tpu.wait_indirect_dma semaphore(%arg15 : memref<!tpu.dma_semaphore, #tpu.memory_space<semaphore_mem>>) src(%dma_wait3A_524 : memref<112x72xf32, #tpu.memory_space<vmem>>) dst(%dma_wait3A_530 : memref<25088x72xf32, #tpu.memory_space<vmem_shared>>)
        %add3A_531 = arith.constant 2 : i32
        %add3A_532 = arith.addi %add3A_484, %add3A_531 : i32
        %mul3A_533 = arith.constant 448 : i32
        %mul3A_534 = arith.muli %arg1, %mul3A_533 : i32
        %add3A_535 = arith.addi %mul3A_534, %add3A_532 : i32
        %run_scoped3A_536 = arith.constant 1 : i32
        "tpu.region"() ({
          %run_scoped3A_740 = tpu.sem_alloc : memref<!tpu.dma_semaphore, #tpu.memory_space<semaphore_mem>>
          %dma_start3A_741 = arith.constant 0 : i32
          %dma_start3A_742 = arith.constant 0 : i32
          %dma_start3A_743 = tpu.memref_slice %arg7[%run_scoped3A_536, %dma_start3A_741, %dma_start3A_742] : memref<2x1x112xi32, #tpu.memory_space<vmem>> -> memref<1x1x112xi32, #tpu.memory_space<vmem>>
          %dma_start3A_744 = tpu.memref_squeeze %dma_start3A_743 : memref<1x1x112xi32, #tpu.memory_space<vmem>> -> memref<1x112xi32, #tpu.memory_space<vmem>>
          %dma_start3A_745 = arith.constant 0 : i32
          %dma_start3A_746 = tpu.memref_slice %arg3[%add3A_535, %dma_start3A_745] : memref<7168x112xi32, #tpu.memory_space<hbm>> -> memref<1x112xi32, #tpu.memory_space<hbm>>
          %dma_start3A_747 = arith.constant 0 : i32
          %dma_start3A_748 = arith.constant 0 : i32
          %dma_start3A_749 = tpu.memref_slice %arg7[%run_scoped3A_536, %dma_start3A_747, %dma_start3A_748] : memref<2x1x112xi32, #tpu.memory_space<vmem>> -> memref<1x1x112xi32, #tpu.memory_space<vmem>>
          %dma_start3A_750 = tpu.memref_squeeze %dma_start3A_749 : memref<1x1x112xi32, #tpu.memory_space<vmem>> -> memref<1x112xi32, #tpu.memory_space<vmem>>
          %dma_start3A_751 = arith.constant 0 : i32
          %dma_start3A_752 = tpu.memref_slice %arg3[%add3A_535, %dma_start3A_751] : memref<7168x112xi32, #tpu.memory_space<hbm>> -> memref<1x112xi32, #tpu.memory_space<hbm>>
          tpu.enqueue_dma source(%dma_start3A_752 : memref<1x112xi32, #tpu.memory_space<hbm>>) target(%dma_start3A_750 : memref<1x112xi32, #tpu.memory_space<vmem>>) target_semaphore(%run_scoped3A_740 : memref<!tpu.dma_semaphore, #tpu.memory_space<semaphore_mem>>)
          %dma_wait3A_753 = arith.constant 0 : i32
          %dma_wait3A_754 = arith.constant 0 : i32
          %dma_wait3A_755 = tpu.memref_slice %arg7[%run_scoped3A_536, %dma_wait3A_753, %dma_wait3A_754] : memref<2x1x112xi32, #tpu.memory_space<vmem>> -> memref<1x1x112xi32, #tpu.memory_space<vmem>>
          %dma_wait3A_756 = tpu.memref_squeeze %dma_wait3A_755 : memref<1x1x112xi32, #tpu.memory_space<vmem>> -> memref<1x112xi32, #tpu.memory_space<vmem>>
          %dma_wait3A_757 = arith.constant 0 : i32
          %dma_wait3A_758 = tpu.memref_slice %arg3[%add3A_535, %dma_wait3A_757] : memref<7168x112xi32, #tpu.memory_space<hbm>> -> memref<1x112xi32, #tpu.memory_space<hbm>>
          %dma_wait3A_759 = arith.constant 0 : i32
          %dma_wait3A_760 = arith.constant 0 : i32
          %dma_wait3A_761 = tpu.memref_slice %arg7[%run_scoped3A_536, %dma_wait3A_759, %dma_wait3A_760] : memref<2x1x112xi32, #tpu.memory_space<vmem>> -> memref<1x1x112xi32, #tpu.memory_space<vmem>>
          %dma_wait3A_762 = tpu.memref_squeeze %dma_wait3A_761 : memref<1x1x112xi32, #tpu.memory_space<vmem>> -> memref<1x112xi32, #tpu.memory_space<vmem>>
          %dma_wait3A_763 = arith.constant 0 : i32
          %dma_wait3A_764 = tpu.memref_slice %arg3[%add3A_535, %dma_wait3A_763] : memref<7168x112xi32, #tpu.memory_space<hbm>> -> memref<1x112xi32, #tpu.memory_space<hbm>>
          tpu.wait_dma2 semaphore(%run_scoped3A_740 : memref<!tpu.dma_semaphore, #tpu.memory_space<semaphore_mem>>) src(%dma_wait3A_764 : memref<1x112xi32, #tpu.memory_space<hbm>>) dst(%dma_wait3A_762 : memref<1x112xi32, #tpu.memory_space<vmem>>)
          tpu.yield
        }) : () -> ()
        %run_scoped3A_537 = arith.constant 1 : i32
        "tpu.region"() ({
          %run_scoped3A_740 = tpu.sem_alloc : memref<!tpu.dma_semaphore, #tpu.memory_space<semaphore_mem>>
          %dma_start3A_741 = arith.constant 0 : i32
          %dma_start3A_742 = arith.constant 0 : i32
          %dma_start3A_743 = tpu.memref_slice %arg8[%run_scoped3A_537, %dma_start3A_741, %dma_start3A_742] : memref<2x1x112xi32, #tpu.memory_space<vmem>> -> memref<1x1x112xi32, #tpu.memory_space<vmem>>
          %dma_start3A_744 = tpu.memref_squeeze %dma_start3A_743 : memref<1x1x112xi32, #tpu.memory_space<vmem>> -> memref<1x112xi32, #tpu.memory_space<vmem>>
          %dma_start3A_745 = arith.constant 0 : i32
          %dma_start3A_746 = tpu.memref_slice %arg4[%add3A_535, %dma_start3A_745] : memref<7168x112xi32, #tpu.memory_space<hbm>> -> memref<1x112xi32, #tpu.memory_space<hbm>>
          %dma_start3A_747 = arith.constant 0 : i32
          %dma_start3A_748 = arith.constant 0 : i32
          %dma_start3A_749 = tpu.memref_slice %arg8[%run_scoped3A_537, %dma_start3A_747, %dma_start3A_748] : memref<2x1x112xi32, #tpu.memory_space<vmem>> -> memref<1x1x112xi32, #tpu.memory_space<vmem>>
          %dma_start3A_750 = tpu.memref_squeeze %dma_start3A_749 : memref<1x1x112xi32, #tpu.memory_space<vmem>> -> memref<1x112xi32, #tpu.memory_space<vmem>>
          %dma_start3A_751 = arith.constant 0 : i32
          %dma_start3A_752 = tpu.memref_slice %arg4[%add3A_535, %dma_start3A_751] : memref<7168x112xi32, #tpu.memory_space<hbm>> -> memref<1x112xi32, #tpu.memory_space<hbm>>
          tpu.enqueue_dma source(%dma_start3A_752 : memref<1x112xi32, #tpu.memory_space<hbm>>) target(%dma_start3A_750 : memref<1x112xi32, #tpu.memory_space<vmem>>) target_semaphore(%run_scoped3A_740 : memref<!tpu.dma_semaphore, #tpu.memory_space<semaphore_mem>>)
          %dma_wait3A_753 = arith.constant 0 : i32
          %dma_wait3A_754 = arith.constant 0 : i32
          %dma_wait3A_755 = tpu.memref_slice %arg8[%run_scoped3A_537, %dma_wait3A_753, %dma_wait3A_754] : memref<2x1x112xi32, #tpu.memory_space<vmem>> -> memref<1x1x112xi32, #tpu.memory_space<vmem>>
          %dma_wait3A_756 = tpu.memref_squeeze %dma_wait3A_755 : memref<1x1x112xi32, #tpu.memory_space<vmem>> -> memref<1x112xi32, #tpu.memory_space<vmem>>
          %dma_wait3A_757 = arith.constant 0 : i32
          %dma_wait3A_758 = tpu.memref_slice %arg4[%add3A_535, %dma_wait3A_757] : memref<7168x112xi32, #tpu.memory_space<hbm>> -> memref<1x112xi32, #tpu.memory_space<hbm>>
          %dma_wait3A_759 = arith.constant 0 : i32
          %dma_wait3A_760 = arith.constant 0 : i32
          %dma_wait3A_761 = tpu.memref_slice %arg8[%run_scoped3A_537, %dma_wait3A_759, %dma_wait3A_760] : memref<2x1x112xi32, #tpu.memory_space<vmem>> -> memref<1x1x112xi32, #tpu.memory_space<vmem>>
          %dma_wait3A_762 = tpu.memref_squeeze %dma_wait3A_761 : memref<1x1x112xi32, #tpu.memory_space<vmem>> -> memref<1x112xi32, #tpu.memory_space<vmem>>
          %dma_wait3A_763 = arith.constant 0 : i32
          %dma_wait3A_764 = tpu.memref_slice %arg4[%add3A_535, %dma_wait3A_763] : memref<7168x112xi32, #tpu.memory_space<hbm>> -> memref<1x112xi32, #tpu.memory_space<hbm>>
          tpu.wait_dma2 semaphore(%run_scoped3A_740 : memref<!tpu.dma_semaphore, #tpu.memory_space<semaphore_mem>>) src(%dma_wait3A_764 : memref<1x112xi32, #tpu.memory_space<hbm>>) dst(%dma_wait3A_762 : memref<1x112xi32, #tpu.memory_space<vmem>>)
          tpu.yield
        }) : () -> ()
        %get3A_538 = arith.constant 1 : i32
        %get3A_539 = arith.constant 0 : i32
        %get3A_540 = arith.index_cast %get3A_538 : i32 to index
        %get3A_541 = arith.index_cast %get3A_539 : i32 to index
        %get3A_542 = arith.constant 0 : index
        %get3A_543 = tpu.vector_load %arg7[%get3A_540, %get3A_541, %get3A_542] {strides = array<i32>} : memref<2x1x112xi32, #tpu.memory_space<vmem>>, vector<1x1x16xi32>,
        %get3A_544 = vector.shape_cast %get3A_543 : vector<1x1x16xi32> to vector<16xi32>
        %sub3A_545 = vector.broadcast %mul3A_0 : i32 to vector<16xi32>
        %sub3A_546 = arith.subi %get3A_544, %sub3A_545 : vector<16xi32>
        %ge3A_547 = arith.constant 0 : i32
        %ge3A_548 = vector.broadcast %ge3A_547 : i32 to vector<16xi32>
        %ge3A_549 = arith.cmpi sge, %sub3A_546, %ge3A_548 : vector<16xi32>
        %lt3A_550 = arith.constant 25000 : i32
        %lt3A_551 = vector.broadcast %lt3A_550 : i32 to vector<16xi32>
        %lt3A_552 = arith.cmpi slt, %sub3A_546, %lt3A_551 : vector<16xi32>
        %and3A_553 = arith.andi %ge3A_549, %lt3A_552 : vector<16xi1>
        %jit3A_554 = arith.constant 25000 : i32
        %broadcast_in_dim3A_555 = vector.broadcast %jit3A_554 : i32 to vector<16xi32>
        %select_n3A_556 = arith.select %and3A_553, %sub3A_546, %broadcast_in_dim3A_555 : vector<16xi1>, vector<16xi32>
        %swap3A_557 = arith.constant 1 : i32
        %swap3A_558 = arith.constant 0 : i32
        %swap3A_559 = arith.index_cast %swap3A_557 : i32 to index
        %swap3A_560 = arith.index_cast %swap3A_558 : i32 to index
        %swap3A_561 = arith.constant 0 : index
        %swap3A_562 = tpu.vector_load %arg9[%swap3A_559, %swap3A_560, %swap3A_561] {strides = array<i32>} : memref<2x1x112xi32, #tpu.memory_space<vmem>>, vector<1x1x16xi32>,
        %swap3A_563 = vector.shape_cast %swap3A_562 : vector<1x1x16xi32> to vector<16xi32>
        %swap3A_564 = vector.shape_cast %select_n3A_556 : vector<16xi32> to vector<1x1x16xi32>
        tpu.vector_store %arg9[%swap3A_559, %swap3A_560, %swap3A_561], %swap3A_564 {strides = array<i32>} : memref<2x1x112xi32, #tpu.memory_space<vmem>>, vector<1x1x16xi32>,
        %get3A_565 = arith.constant 1 : i32
        %get3A_566 = arith.constant 0 : i32
        %get3A_567 = arith.index_cast %get3A_565 : i32 to index
        %get3A_568 = arith.index_cast %get3A_566 : i32 to index
        %get3A_569 = arith.constant 16 : index
        %get3A_570 = tpu.vector_load %arg7[%get3A_567, %get3A_568, %get3A_569] {strides = array<i32>} : memref<2x1x112xi32, #tpu.memory_space<vmem>>, vector<1x1x16xi32>,
        %get3A_571 = vector.shape_cast %get3A_570 : vector<1x1x16xi32> to vector<16xi32>
        %sub3A_572 = vector.broadcast %mul3A_0 : i32 to vector<16xi32>
        %sub3A_573 = arith.subi %get3A_571, %sub3A_572 : vector<16xi32>
        %ge3A_574 = arith.constant 0 : i32
        %ge3A_575 = vector.broadcast %ge3A_574 : i32 to vector<16xi32>
        %ge3A_576 = arith.cmpi sge, %sub3A_573, %ge3A_575 : vector<16xi32>
        %lt3A_577 = arith.constant 25000 : i32
        %lt3A_578 = vector.broadcast %lt3A_577 : i32 to vector<16xi32>
        %lt3A_579 = arith.cmpi slt, %sub3A_573, %lt3A_578 : vector<16xi32>
        %and3A_580 = arith.andi %ge3A_576, %lt3A_579 : vector<16xi1>
        %jit3A_581 = arith.constant 25000 : i32
        %broadcast_in_dim3A_582 = vector.broadcast %jit3A_581 : i32 to vector<16xi32>
        %select_n3A_583 = arith.select %and3A_580, %sub3A_573, %broadcast_in_dim3A_582 : vector<16xi1>, vector<16xi32>
        %swap3A_584 = arith.constant 1 : i32
        %swap3A_585 = arith.constant 0 : i32
        %swap3A_586 = arith.index_cast %swap3A_584 : i32 to index
        %swap3A_587 = arith.index_cast %swap3A_585 : i32 to index
        %swap3A_588 = arith.constant 16 : index
        %swap3A_589 = tpu.vector_load %arg9[%swap3A_586, %swap3A_587, %swap3A_588] {strides = array<i32>} : memref<2x1x112xi32, #tpu.memory_space<vmem>>, vector<1x1x16xi32>,
        %swap3A_590 = vector.shape_cast %swap3A_589 : vector<1x1x16xi32> to vector<16xi32>
        %swap3A_591 = vector.shape_cast %select_n3A_583 : vector<16xi32> to vector<1x1x16xi32>
        tpu.vector_store %arg9[%swap3A_586, %swap3A_587, %swap3A_588], %swap3A_591 {strides = array<i32>} : memref<2x1x112xi32, #tpu.memory_space<vmem>>, vector<1x1x16xi32>,
        %get3A_592 = arith.constant 1 : i32
        %get3A_593 = arith.constant 0 : i32
        %get3A_594 = arith.index_cast %get3A_592 : i32 to index
        %get3A_595 = arith.index_cast %get3A_593 : i32 to index
        %get3A_596 = arith.constant 32 : index
        %get3A_597 = tpu.vector_load %arg7[%get3A_594, %get3A_595, %get3A_596] {strides = array<i32>} : memref<2x1x112xi32, #tpu.memory_space<vmem>>, vector<1x1x16xi32>,
        %get3A_598 = vector.shape_cast %get3A_597 : vector<1x1x16xi32> to vector<16xi32>
        %sub3A_599 = vector.broadcast %mul3A_0 : i32 to vector<16xi32>
        %sub3A_600 = arith.subi %get3A_598, %sub3A_599 : vector<16xi32>
        %ge3A_601 = arith.constant 0 : i32
        %ge3A_602 = vector.broadcast %ge3A_601 : i32 to vector<16xi32>
        %ge3A_603 = arith.cmpi sge, %sub3A_600, %ge3A_602 : vector<16xi32>
        %lt3A_604 = arith.constant 25000 : i32
        %lt3A_605 = vector.broadcast %lt3A_604 : i32 to vector<16xi32>
        %lt3A_606 = arith.cmpi slt, %sub3A_600, %lt3A_605 : vector<16xi32>
        %and3A_607 = arith.andi %ge3A_603, %lt3A_606 : vector<16xi1>
        %jit3A_608 = arith.constant 25000 : i32
        %broadcast_in_dim3A_609 = vector.broadcast %jit3A_608 : i32 to vector<16xi32>
        %select_n3A_610 = arith.select %and3A_607, %sub3A_600, %broadcast_in_dim3A_609 : vector<16xi1>, vector<16xi32>
        %swap3A_611 = arith.constant 1 : i32
        %swap3A_612 = arith.constant 0 : i32
        %swap3A_613 = arith.index_cast %swap3A_611 : i32 to index
        %swap3A_614 = arith.index_cast %swap3A_612 : i32 to index
        %swap3A_615 = arith.constant 32 : index
        %swap3A_616 = tpu.vector_load %arg9[%swap3A_613, %swap3A_614, %swap3A_615] {strides = array<i32>} : memref<2x1x112xi32, #tpu.memory_space<vmem>>, vector<1x1x16xi32>,
        %swap3A_617 = vector.shape_cast %swap3A_616 : vector<1x1x16xi32> to vector<16xi32>
        %swap3A_618 = vector.shape_cast %select_n3A_610 : vector<16xi32> to vector<1x1x16xi32>
        tpu.vector_store %arg9[%swap3A_613, %swap3A_614, %swap3A_615], %swap3A_618 {strides = array<i32>} : memref<2x1x112xi32, #tpu.memory_space<vmem>>, vector<1x1x16xi32>,
        %get3A_619 = arith.constant 1 : i32
        %get3A_620 = arith.constant 0 : i32
        %get3A_621 = arith.index_cast %get3A_619 : i32 to index
        %get3A_622 = arith.index_cast %get3A_620 : i32 to index
        %get3A_623 = arith.constant 48 : index
        %get3A_624 = tpu.vector_load %arg7[%get3A_621, %get3A_622, %get3A_623] {strides = array<i32>} : memref<2x1x112xi32, #tpu.memory_space<vmem>>, vector<1x1x16xi32>,
        %get3A_625 = vector.shape_cast %get3A_624 : vector<1x1x16xi32> to vector<16xi32>
        %sub3A_626 = vector.broadcast %mul3A_0 : i32 to vector<16xi32>
        %sub3A_627 = arith.subi %get3A_625, %sub3A_626 : vector<16xi32>
        %ge3A_628 = arith.constant 0 : i32
        %ge3A_629 = vector.broadcast %ge3A_628 : i32 to vector<16xi32>
        %ge3A_630 = arith.cmpi sge, %sub3A_627, %ge3A_629 : vector<16xi32>
        %lt3A_631 = arith.constant 25000 : i32
        %lt3A_632 = vector.broadcast %lt3A_631 : i32 to vector<16xi32>
        %lt3A_633 = arith.cmpi slt, %sub3A_627, %lt3A_632 : vector<16xi32>
        %and3A_634 = arith.andi %ge3A_630, %lt3A_633 : vector<16xi1>
        %jit3A_635 = arith.constant 25000 : i32
        %broadcast_in_dim3A_636 = vector.broadcast %jit3A_635 : i32 to vector<16xi32>
        %select_n3A_637 = arith.select %and3A_634, %sub3A_627, %broadcast_in_dim3A_636 : vector<16xi1>, vector<16xi32>
        %swap3A_638 = arith.constant 1 : i32
        %swap3A_639 = arith.constant 0 : i32
        %swap3A_640 = arith.index_cast %swap3A_638 : i32 to index
        %swap3A_641 = arith.index_cast %swap3A_639 : i32 to index
        %swap3A_642 = arith.constant 48 : index
        %swap3A_643 = tpu.vector_load %arg9[%swap3A_640, %swap3A_641, %swap3A_642] {strides = array<i32>} : memref<2x1x112xi32, #tpu.memory_space<vmem>>, vector<1x1x16xi32>,
        %swap3A_644 = vector.shape_cast %swap3A_643 : vector<1x1x16xi32> to vector<16xi32>
        %swap3A_645 = vector.shape_cast %select_n3A_637 : vector<16xi32> to vector<1x1x16xi32>
        tpu.vector_store %arg9[%swap3A_640, %swap3A_641, %swap3A_642], %swap3A_645 {strides = array<i32>} : memref<2x1x112xi32, #tpu.memory_space<vmem>>, vector<1x1x16xi32>,
        %get3A_646 = arith.constant 1 : i32
        %get3A_647 = arith.constant 0 : i32
        %get3A_648 = arith.index_cast %get3A_646 : i32 to index
        %get3A_649 = arith.index_cast %get3A_647 : i32 to index
        %get3A_650 = arith.constant 64 : index
        %get3A_651 = tpu.vector_load %arg7[%get3A_648, %get3A_649, %get3A_650] {strides = array<i32>} : memref<2x1x112xi32, #tpu.memory_space<vmem>>, vector<1x1x16xi32>,
        %get3A_652 = vector.shape_cast %get3A_651 : vector<1x1x16xi32> to vector<16xi32>
        %sub3A_653 = vector.broadcast %mul3A_0 : i32 to vector<16xi32>
        %sub3A_654 = arith.subi %get3A_652, %sub3A_653 : vector<16xi32>
        %ge3A_655 = arith.constant 0 : i32
        %ge3A_656 = vector.broadcast %ge3A_655 : i32 to vector<16xi32>
        %ge3A_657 = arith.cmpi sge, %sub3A_654, %ge3A_656 : vector<16xi32>
        %lt3A_658 = arith.constant 25000 : i32
        %lt3A_659 = vector.broadcast %lt3A_658 : i32 to vector<16xi32>
        %lt3A_660 = arith.cmpi slt, %sub3A_654, %lt3A_659 : vector<16xi32>
        %and3A_661 = arith.andi %ge3A_657, %lt3A_660 : vector<16xi1>
        %jit3A_662 = arith.constant 25000 : i32
        %broadcast_in_dim3A_663 = vector.broadcast %jit3A_662 : i32 to vector<16xi32>
        %select_n3A_664 = arith.select %and3A_661, %sub3A_654, %broadcast_in_dim3A_663 : vector<16xi1>, vector<16xi32>
        %swap3A_665 = arith.constant 1 : i32
        %swap3A_666 = arith.constant 0 : i32
        %swap3A_667 = arith.index_cast %swap3A_665 : i32 to index
        %swap3A_668 = arith.index_cast %swap3A_666 : i32 to index
        %swap3A_669 = arith.constant 64 : index
        %swap3A_670 = tpu.vector_load %arg9[%swap3A_667, %swap3A_668, %swap3A_669] {strides = array<i32>} : memref<2x1x112xi32, #tpu.memory_space<vmem>>, vector<1x1x16xi32>,
        %swap3A_671 = vector.shape_cast %swap3A_670 : vector<1x1x16xi32> to vector<16xi32>
        %swap3A_672 = vector.shape_cast %select_n3A_664 : vector<16xi32> to vector<1x1x16xi32>
        tpu.vector_store %arg9[%swap3A_667, %swap3A_668, %swap3A_669], %swap3A_672 {strides = array<i32>} : memref<2x1x112xi32, #tpu.memory_space<vmem>>, vector<1x1x16xi32>,
        %get3A_673 = arith.constant 1 : i32
        %get3A_674 = arith.constant 0 : i32
        %get3A_675 = arith.index_cast %get3A_673 : i32 to index
        %get3A_676 = arith.index_cast %get3A_674 : i32 to index
        %get3A_677 = arith.constant 80 : index
        %get3A_678 = tpu.vector_load %arg7[%get3A_675, %get3A_676, %get3A_677] {strides = array<i32>} : memref<2x1x112xi32, #tpu.memory_space<vmem>>, vector<1x1x16xi32>,
        %get3A_679 = vector.shape_cast %get3A_678 : vector<1x1x16xi32> to vector<16xi32>
        %sub3A_680 = vector.broadcast %mul3A_0 : i32 to vector<16xi32>
        %sub3A_681 = arith.subi %get3A_679, %sub3A_680 : vector<16xi32>
        %ge3A_682 = arith.constant 0 : i32
        %ge3A_683 = vector.broadcast %ge3A_682 : i32 to vector<16xi32>
        %ge3A_684 = arith.cmpi sge, %sub3A_681, %ge3A_683 : vector<16xi32>
        %lt3A_685 = arith.constant 25000 : i32
        %lt3A_686 = vector.broadcast %lt3A_685 : i32 to vector<16xi32>
        %lt3A_687 = arith.cmpi slt, %sub3A_681, %lt3A_686 : vector<16xi32>
        %and3A_688 = arith.andi %ge3A_684, %lt3A_687 : vector<16xi1>
        %jit3A_689 = arith.constant 25000 : i32
        %broadcast_in_dim3A_690 = vector.broadcast %jit3A_689 : i32 to vector<16xi32>
        %select_n3A_691 = arith.select %and3A_688, %sub3A_681, %broadcast_in_dim3A_690 : vector<16xi1>, vector<16xi32>
        %swap3A_692 = arith.constant 1 : i32
        %swap3A_693 = arith.constant 0 : i32
        %swap3A_694 = arith.index_cast %swap3A_692 : i32 to index
        %swap3A_695 = arith.index_cast %swap3A_693 : i32 to index
        %swap3A_696 = arith.constant 80 : index
        %swap3A_697 = tpu.vector_load %arg9[%swap3A_694, %swap3A_695, %swap3A_696] {strides = array<i32>} : memref<2x1x112xi32, #tpu.memory_space<vmem>>, vector<1x1x16xi32>,
        %swap3A_698 = vector.shape_cast %swap3A_697 : vector<1x1x16xi32> to vector<16xi32>
        %swap3A_699 = vector.shape_cast %select_n3A_691 : vector<16xi32> to vector<1x1x16xi32>
        tpu.vector_store %arg9[%swap3A_694, %swap3A_695, %swap3A_696], %swap3A_699 {strides = array<i32>} : memref<2x1x112xi32, #tpu.memory_space<vmem>>, vector<1x1x16xi32>,
        %get3A_700 = arith.constant 1 : i32
        %get3A_701 = arith.constant 0 : i32
        %get3A_702 = arith.index_cast %get3A_700 : i32 to index
        %get3A_703 = arith.index_cast %get3A_701 : i32 to index
        %get3A_704 = arith.constant 96 : index
        %get3A_705 = tpu.vector_load %arg7[%get3A_702, %get3A_703, %get3A_704] {strides = array<i32>} : memref<2x1x112xi32, #tpu.memory_space<vmem>>, vector<1x1x16xi32>,
        %get3A_706 = vector.shape_cast %get3A_705 : vector<1x1x16xi32> to vector<16xi32>
        %sub3A_707 = vector.broadcast %mul3A_0 : i32 to vector<16xi32>
        %sub3A_708 = arith.subi %get3A_706, %sub3A_707 : vector<16xi32>
        %ge3A_709 = arith.constant 0 : i32
        %ge3A_710 = vector.broadcast %ge3A_709 : i32 to vector<16xi32>
        %ge3A_711 = arith.cmpi sge, %sub3A_708, %ge3A_710 : vector<16xi32>
        %lt3A_712 = arith.constant 25000 : i32
        %lt3A_713 = vector.broadcast %lt3A_712 : i32 to vector<16xi32>
        %lt3A_714 = arith.cmpi slt, %sub3A_708, %lt3A_713 : vector<16xi32>
        %and3A_715 = arith.andi %ge3A_711, %lt3A_714 : vector<16xi1>
        %jit3A_716 = arith.constant 25000 : i32
        %broadcast_in_dim3A_717 = vector.broadcast %jit3A_716 : i32 to vector<16xi32>
        %select_n3A_718 = arith.select %and3A_715, %sub3A_708, %broadcast_in_dim3A_717 : vector<16xi1>, vector<16xi32>
        %swap3A_719 = arith.constant 1 : i32
        %swap3A_720 = arith.constant 0 : i32
        %swap3A_721 = arith.index_cast %swap3A_719 : i32 to index
        %swap3A_722 = arith.index_cast %swap3A_720 : i32 to index
        %swap3A_723 = arith.constant 96 : index
        %swap3A_724 = tpu.vector_load %arg9[%swap3A_721, %swap3A_722, %swap3A_723] {strides = array<i32>} : memref<2x1x112xi32, #tpu.memory_space<vmem>>, vector<1x1x16xi32>,
        %swap3A_725 = vector.shape_cast %swap3A_724 : vector<1x1x16xi32> to vector<16xi32>
        %swap3A_726 = vector.shape_cast %select_n3A_718 : vector<16xi32> to vector<1x1x16xi32>
        tpu.vector_store %arg9[%swap3A_721, %swap3A_722, %swap3A_723], %swap3A_726 {strides = array<i32>} : memref<2x1x112xi32, #tpu.memory_space<vmem>>, vector<1x1x16xi32>,
        %dma_start3A_727 = arith.constant 1 : i32
        %dma_start3A_728 = arith.constant 0 : i32
        %dma_start3A_729 = arith.constant 1 : i32
        %dma_start3A_730 = arith.constant 0 : i32
        %dma_start3A_731 = arith.constant 0 : i32
        %dma_start3A_732 = tpu.memref_slice %arg10[%dma_start3A_729, %dma_start3A_730, %dma_start3A_731] : memref<2x112x72xf32, #tpu.memory_space<vmem>> -> memref<1x112x72xf32, #tpu.memory_space<vmem>>
        %dma_start3A_733 = tpu.memref_squeeze %dma_start3A_732 : memref<1x112x72xf32, #tpu.memory_space<vmem>> -> memref<112x72xf32, #tpu.memory_space<vmem>>
        %dma_start3A_734 = arith.constant 0 : i32
        %dma_start3A_735 = tpu.memref_slice %arg8[%dma_start3A_727, %dma_start3A_728, %dma_start3A_734] : memref<2x1x112xi32, #tpu.memory_space<vmem>> -> memref<1x1x112xi32, #tpu.memory_space<vmem>>
        %dma_start3A_736 = tpu.memref_squeeze %dma_start3A_735 : memref<1x1x112xi32, #tpu.memory_space<vmem>> -> memref<112xi32, #tpu.memory_space<vmem>>
        %dma_start3A_737 = arith.constant 0 : i32
        %dma_start3A_738 = arith.constant 0 : i32
        %dma_start3A_739 = tpu.memref_slice %arg2[%dma_start3A_737, %dma_start3A_738] : memref<50000x72xf32, #tpu.memory_space<hbm>> -> memref<50000x72xf32, #tpu.memory_space<hbm>>
        tpu.enqueue_indirect_dma source(%dma_start3A_739 : memref<50000x72xf32, #tpu.memory_space<hbm>>) target(%dma_start3A_733 : memref<112x72xf32, #tpu.memory_space<vmem>>) offsets(%dma_start3A_736 : memref<112xi32, #tpu.memory_space<vmem>>) semaphore(%arg13 : memref<!tpu.dma_semaphore, #tpu.memory_space<semaphore_mem>>)
      } else {
      }
    }
    %scan3A_411 = arith.constant 224 : i32
    %dma_wait3A = arith.constant 0 : i32
    %dma_wait3A_412 = arith.constant 0 : i32
    %dma_wait3A_413 = arith.constant 0 : i32
    %dma_wait3A_414 = arith.constant 0 : i32
    %dma_wait3A_415 = arith.constant 0 : i32
    %dma_wait3A_416 = tpu.memref_slice %arg10[%dma_wait3A, %dma_wait3A_414, %dma_wait3A_415] : memref<2x112x72xf32, #tpu.memory_space<vmem>> -> memref<1x112x72xf32, #tpu.memory_space<vmem>>
    %dma_wait3A_417 = tpu.memref_squeeze %dma_wait3A_416 : memref<1x112x72xf32, #tpu.memory_space<vmem>> -> memref<112x72xf32, #tpu.memory_space<vmem>>
    %dma_wait3A_418 = arith.constant 0 : i32
    %dma_wait3A_419 = tpu.memref_slice %arg9[%dma_wait3A_412, %dma_wait3A_413, %dma_wait3A_418] : memref<2x1x112xi32, #tpu.memory_space<vmem>> -> memref<1x1x112xi32, #tpu.memory_space<vmem>>
    %dma_wait3A_420 = tpu.memref_squeeze %dma_wait3A_419 : memref<1x1x112xi32, #tpu.memory_space<vmem>> -> memref<112xi32, #tpu.memory_space<vmem>>
    %dma_wait3A_421 = arith.constant 0 : i32
    %dma_wait3A_422 = arith.constant 0 : i32
    %dma_wait3A_423 = tpu.memref_slice %arg11[%dma_wait3A_421, %dma_wait3A_422] : memref<25088x72xf32, #tpu.memory_space<vmem_shared>> -> memref<25088x72xf32, #tpu.memory_space<vmem_shared>>
    tpu.wait_indirect_dma semaphore(%arg14 : memref<!tpu.dma_semaphore, #tpu.memory_space<semaphore_mem>>) src(%dma_wait3A_417 : memref<112x72xf32, #tpu.memory_space<vmem>>) dst(%dma_wait3A_423 : memref<25088x72xf32, #tpu.memory_space<vmem_shared>>)
    %dma_wait3A_424 = arith.constant 1 : i32
    %dma_wait3A_425 = arith.constant 1 : i32
    %dma_wait3A_426 = arith.constant 0 : i32
    %dma_wait3A_427 = arith.constant 0 : i32
    %dma_wait3A_428 = arith.constant 0 : i32
    %dma_wait3A_429 = tpu.memref_slice %arg10[%dma_wait3A_424, %dma_wait3A_427, %dma_wait3A_428] : memref<2x112x72xf32, #tpu.memory_space<vmem>> -> memref<1x112x72xf32, #tpu.memory_space<vmem>>
    %dma_wait3A_430 = tpu.memref_squeeze %dma_wait3A_429 : memref<1x112x72xf32, #tpu.memory_space<vmem>> -> memref<112x72xf32, #tpu.memory_space<vmem>>
    %dma_wait3A_431 = arith.constant 0 : i32
    %dma_wait3A_432 = tpu.memref_slice %arg9[%dma_wait3A_425, %dma_wait3A_426, %dma_wait3A_431] : memref<2x1x112xi32, #tpu.memory_space<vmem>> -> memref<1x1x112xi32, #tpu.memory_space<vmem>>
    %dma_wait3A_433 = tpu.memref_squeeze %dma_wait3A_432 : memref<1x1x112xi32, #tpu.memory_space<vmem>> -> memref<112xi32, #tpu.memory_space<vmem>>
    %dma_wait3A_434 = arith.constant 0 : i32
    %dma_wait3A_435 = arith.constant 0 : i32
    %dma_wait3A_436 = tpu.memref_slice %arg11[%dma_wait3A_434, %dma_wait3A_435] : memref<25088x72xf32, #tpu.memory_space<vmem_shared>> -> memref<25088x72xf32, #tpu.memory_space<vmem_shared>>
    tpu.wait_indirect_dma semaphore(%arg15 : memref<!tpu.dma_semaphore, #tpu.memory_space<semaphore_mem>>) src(%dma_wait3A_430 : memref<112x72xf32, #tpu.memory_space<vmem>>) dst(%dma_wait3A_436 : memref<25088x72xf32, #tpu.memory_space<vmem_shared>>)
    %barrier3A_437 = arith.constant 0 : index
    tpu.barrier barrier_id(%barrier3A_437)
    %mul3A_438 = arith.constant 25088 : i32
    %mul3A_439 = arith.muli %arg0, %mul3A_438 : i32
    %mul3A_440 = arith.constant 1568 : i32
    %mul3A_441 = arith.muli %arg1, %mul3A_440 : i32
    %add3A_442 = arith.addi %mul3A_439, %mul3A_441 : i32
    %mul3A_443 = arith.constant 1568 : i32
    %mul3A_444 = arith.muli %arg1, %mul3A_443 : i32
    "tpu.region"() ({
      %run_scoped3A_445 = tpu.sem_alloc : memref<!tpu.dma_semaphore, #tpu.memory_space<semaphore_mem>>
      %dma_start3A_446 = arith.constant 0 : i32
      %dma_start3A_447 = tpu.memref_slice %arg6[%add3A_442, %dma_start3A_446] : memref<50176x72xf32, #tpu.memory_space<hbm>> -> memref<1568x72xf32, #tpu.memory_space<hbm>>
      %dma_start3A_448 = arith.constant 0 : i32
      %dma_start3A_449 = tpu.memref_slice %arg11[%mul3A_444, %dma_start3A_448] : memref<25088x72xf32, #tpu.memory_space<vmem_shared>> -> memref<1568x72xf32, #tpu.memory_space<vmem_shared>>
      tpu.enqueue_dma source(%dma_start3A_449 : memref<1568x72xf32, #tpu.memory_space<vmem_shared>>) target(%dma_start3A_447 : memref<1568x72xf32, #tpu.memory_space<hbm>>) target_semaphore(%run_scoped3A_445 : memref<!tpu.dma_semaphore, #tpu.memory_space<semaphore_mem>>)
      %dma_wait3A_450 = arith.constant 0 : i32
      %dma_wait3A_451 = tpu.memref_slice %arg6[%add3A_442, %dma_wait3A_450] : memref<50176x72xf32, #tpu.memory_space<hbm>> -> memref<1568x72xf32, #tpu.memory_space<hbm>>
      %dma_wait3A_452 = arith.constant 0 : i32
      %dma_wait3A_453 = tpu.memref_slice %arg11[%mul3A_444, %dma_wait3A_452] : memref<25088x72xf32, #tpu.memory_space<vmem_shared>> -> memref<1568x72xf32, #tpu.memory_space<vmem_shared>>
      tpu.wait_dma2 semaphore(%run_scoped3A_445 : memref<!tpu.dma_semaphore, #tpu.memory_space<semaphore_mem>>) src(%dma_wait3A_453 : memref<1568x72xf32, #tpu.memory_space<vmem_shared>>) dst(%dma_wait3A_451 : memref<1568x72xf32, #tpu.memory_space<hbm>>)
      tpu.yield
    }) : () -> ()
    return
  }
}

module attributes {stable_mosaic.version = 14 : i64} {
  func.func @_enc_body(%arg0: i32, %arg1: memref<2000x6xf32, #tpu.memory_space<vmem>>, %arg2: memref<6x64xf32, #tpu.memory_space<vmem>>, %arg3: memref<1x64xf32, #tpu.memory_space<vmem>>, %arg4: memref<64x64xf32, #tpu.memory_space<vmem>>, %arg5: memref<1x64xf32, #tpu.memory_space<vmem>>, %arg6: memref<2000x72xf32, #tpu.memory_space<vmem>>) attributes {dimension_semantics = [#tpu.dimension_semantics<arbitrary>], iteration_bounds = array<i64: 25>, scalar_prefetch = 0 : i64, scratch_operands = 0 : i64, tpu.core_type = #tpu.core_type<tc>, window_params = [{transform_indices = @transform_0, window_bounds = array<i64: 2000, 6>}, {pipeline_mode = #tpu.pipeline_mode<synchronous>, transform_indices = @transform_1, window_bounds = array<i64: 6, 64>}, {pipeline_mode = #tpu.pipeline_mode<synchronous>, transform_indices = @transform_2, window_bounds = array<i64: 1, 64>}, {pipeline_mode = #tpu.pipeline_mode<synchronous>, transform_indices = @transform_3, window_bounds = array<i64: 64, 64>}, {pipeline_mode = #tpu.pipeline_mode<synchronous>, transform_indices = @transform_4, window_bounds = array<i64: 1, 64>}, {transform_indices = @transform_5, window_bounds = array<i64: 2000, 72>}]} {
    %get3A = arith.constant 0 : index
    %get3A_0 = arith.constant 0 : index
    %get3A_1 = vector.load %arg1[%get3A, %get3A_0] : memref<2000x6xf32, #tpu.memory_space<vmem>>, vector<2000x6xf32>
    %get3A_2 = arith.constant 0 : index
    %get3A_3 = arith.constant 0 : index
    %get3A_4 = vector.load %arg2[%get3A_2, %get3A_3] : memref<6x64xf32, #tpu.memory_space<vmem>>, vector<6x64xf32>
    %dot_general3A = arith.constant dense<0.000000e+00> : vector<2000x64xf32>
    %dot_general3A_5 = tpu.matmul %get3A_1, %get3A_4, %dot_general3A {dimension_numbers = #tpu.dot_dimension_numbers<[1], [0], [0], [1], [0, 0, 1, 1], [], []>, transpose_lhs_hint = false} : vector<2000x6xf32>, vector<6x64xf32>, vector<2000x64xf32> -> vector<2000x64xf32>
    %get3A_6 = arith.constant 0 : index
    %get3A_7 = arith.constant 0 : index
    %get3A_8 = vector.load %arg3[%get3A_6, %get3A_7] : memref<1x64xf32, #tpu.memory_space<vmem>>, vector<1x64xf32>
    %add3A = vector.broadcast %get3A_8 : vector<1x64xf32> to vector<2000x64xf32>
    %add3A_9 = arith.addf %dot_general3A_5, %add3A : vector<2000x64xf32>
    %max3A = arith.constant 0.000000e+00 : f32
    %max3A_10 = vector.broadcast %max3A : f32 to vector<2000x64xf32>
    %max3A_11 = arith.maximumf %add3A_9, %max3A_10 : vector<2000x64xf32>
    %get3A_12 = arith.constant 0 : index
    %get3A_13 = arith.constant 0 : index
    %get3A_14 = vector.load %arg4[%get3A_12, %get3A_13] : memref<64x64xf32, #tpu.memory_space<vmem>>, vector<64x64xf32>
    %dot_general3A_15 = arith.constant dense<0.000000e+00> : vector<2000x64xf32>
    %dot_general3A_16 = tpu.matmul %max3A_11, %get3A_14, %dot_general3A_15 {dimension_numbers = #tpu.dot_dimension_numbers<[1], [0], [0], [1], [0, 0, 1, 1], [], []>, transpose_lhs_hint = false} : vector<2000x64xf32>, vector<64x64xf32>, vector<2000x64xf32> -> vector<2000x64xf32>
    %get3A_17 = arith.constant 0 : index
    %get3A_18 = arith.constant 0 : index
    %get3A_19 = vector.load %arg5[%get3A_17, %get3A_18] : memref<1x64xf32, #tpu.memory_space<vmem>>, vector<1x64xf32>
    %add3A_20 = vector.broadcast %get3A_19 : vector<1x64xf32> to vector<2000x64xf32>
    %add3A_21 = arith.addf %dot_general3A_16, %add3A_20 : vector<2000x64xf32>
    %broadcast_in_dim3A = arith.constant 1.000000e+00 : f32
    %broadcast_in_dim3A_22 = vector.broadcast %broadcast_in_dim3A : f32 to vector<2000x8xf32>
    %concatenate3A = tpu.concatenate %add3A_21, %broadcast_in_dim3A_22 in 1 : vector<2000x64xf32>, vector<2000x8xf32> -> vector<2000x72xf32>
    %swap3A = arith.constant 0 : index
    %swap3A_23 = arith.constant 0 : index
    %swap3A_24 = vector.load %arg6[%swap3A, %swap3A_23] : memref<2000x72xf32, #tpu.memory_space<vmem>>, vector<2000x72xf32>
    tpu.vector_store %arg6[%swap3A, %swap3A_23], %concatenate3A {strides = array<i32>} : memref<2000x72xf32, #tpu.memory_space<vmem>>, vector<2000x72xf32>,
    return
  }
  func.func @transform_0(%arg0: i32) -> (i32, i32) {
    %c0_i32 = arith.constant 0 : i32
    %c0_i32_0 = arith.constant 0 : i32
    return %arg0, %c0_i32 : i32, i32
  }
  func.func @transform_1(%arg0: i32) -> (i32, i32) {
    %c0_i32 = arith.constant 0 : i32
    %c0_i32_0 = arith.constant 0 : i32
    %c0_i32_1 = arith.constant 0 : i32
    return %c0_i32, %c0_i32_0 : i32, i32
  }
  func.func @transform_2(%arg0: i32) -> (i32, i32) {
    %c0_i32 = arith.constant 0 : i32
    %c0_i32_0 = arith.constant 0 : i32
    %c0_i32_1 = arith.constant 0 : i32
    return %c0_i32, %c0_i32_0 : i32, i32
  }
  func.func @transform_3(%arg0: i32) -> (i32, i32) {
    %c0_i32 = arith.constant 0 : i32
    %c0_i32_0 = arith.constant 0 : i32
    %c0_i32_1 = arith.constant 0 : i32
    return %c0_i32, %c0_i32_0 : i32, i32
  }
  func.func @transform_4(%arg0: i32) -> (i32, i32) {
    %c0_i32 = arith.constant 0 : i32
    %c0_i32_0 = arith.constant 0 : i32
    %c0_i32_1 = arith.constant 0 : i32
    return %c0_i32, %c0_i32_0 : i32, i32
  }
  func.func @transform_5(%arg0: i32) -> (i32, i32) {
    %c0_i32 = arith.constant 0 : i32
    %c0_i32_0 = arith.constant 0 : i32
    return %arg0, %c0_i32 : i32, i32
  }
}

module attributes {stable_mosaic.version = 14 : i64} {
  func.func @_mlp_body(%arg0: i32, %arg1: memref<2000x72xf32, #tpu.memory_space<vmem>>, %arg2: memref<2000x72xf32, #tpu.memory_space<vmem>>, %arg3: memref<64x64xf32, #tpu.memory_space<vmem>>, %arg4: memref<1x64xf32, #tpu.memory_space<vmem>>, %arg5: memref<64x64xf32, #tpu.memory_space<vmem>>, %arg6: memref<1x64xf32, #tpu.memory_space<vmem>>, %arg7: memref<64x64xf32, #tpu.memory_space<vmem>>, %arg8: memref<1x64xf32, #tpu.memory_space<vmem>>, %arg9: memref<64x8xf32, #tpu.memory_space<vmem>>, %arg10: memref<1x8xf32, #tpu.memory_space<vmem>>, %arg11: memref<2000x8xf32, #tpu.memory_space<vmem>>) attributes {dimension_semantics = [#tpu.dimension_semantics<arbitrary>], iteration_bounds = array<i64: 25>, scalar_prefetch = 0 : i64, scratch_operands = 0 : i64, tpu.core_type = #tpu.core_type<tc>, window_params = [{transform_indices = @transform_0, window_bounds = array<i64: 2000, 72>}, {transform_indices = @transform_1, window_bounds = array<i64: 2000, 72>}, {pipeline_mode = #tpu.pipeline_mode<synchronous>, transform_indices = @transform_2, window_bounds = array<i64: 64, 64>}, {pipeline_mode = #tpu.pipeline_mode<synchronous>, transform_indices = @transform_3, window_bounds = array<i64: 1, 64>}, {pipeline_mode = #tpu.pipeline_mode<synchronous>, transform_indices = @transform_4, window_bounds = array<i64: 64, 64>}, {pipeline_mode = #tpu.pipeline_mode<synchronous>, transform_indices = @transform_5, window_bounds = array<i64: 1, 64>}, {pipeline_mode = #tpu.pipeline_mode<synchronous>, transform_indices = @transform_6, window_bounds = array<i64: 64, 64>}, {pipeline_mode = #tpu.pipeline_mode<synchronous>, transform_indices = @transform_7, window_bounds = array<i64: 1, 64>}, {pipeline_mode = #tpu.pipeline_mode<synchronous>, transform_indices = @transform_8, window_bounds = array<i64: 64, 8>}, {pipeline_mode = #tpu.pipeline_mode<synchronous>, transform_indices = @transform_9, window_bounds = array<i64: 1, 8>}, {transform_indices = @transform_10, window_bounds = array<i64: 2000, 8>}]} {
    %get3A = arith.constant 0 : index
    %get3A_0 = arith.constant 0 : index
    %get3A_1 = vector.load %arg2[%get3A, %get3A_0] : memref<2000x72xf32, #tpu.memory_space<vmem>>, vector<2000x72xf32>
    %slice3A = vector.extract_strided_slice %get3A_1 {offsets = [0, 64], sizes = [2000, 1], strides = [1, 1]} : vector<2000x72xf32> to vector<2000x1xf32>
    %get3A_2 = arith.constant 0 : index
    %get3A_3 = arith.constant 0 : index
    %get3A_4 = vector.load %arg1[%get3A_2, %get3A_3] : memref<2000x72xf32, #tpu.memory_space<vmem>>, vector<2000x72xf32>
    %slice3A_5 = vector.extract_strided_slice %get3A_4 {offsets = [0, 0], sizes = [2000, 64], strides = [1, 1]} : vector<2000x72xf32> to vector<2000x64xf32>
    %get3A_6 = arith.constant 0 : index
    %get3A_7 = arith.constant 0 : index
    %get3A_8 = vector.load %arg2[%get3A_6, %get3A_7] : memref<2000x72xf32, #tpu.memory_space<vmem>>, vector<2000x72xf32>
    %slice3A_9 = vector.extract_strided_slice %get3A_8 {offsets = [0, 0], sizes = [2000, 64], strides = [1, 1]} : vector<2000x72xf32> to vector<2000x64xf32>
    %max3A = arith.constant 1.000000e+00 : f32
    %max3A_10 = vector.broadcast %max3A : f32 to vector<2000x1xf32>
    %max3A_11 = arith.maximumf %slice3A, %max3A_10 : vector<2000x1xf32>
    %div3A = vector.broadcast %max3A_11 : vector<2000x1xf32> to vector<2000x64xf32>
    %div3A_12 = arith.divf %slice3A_9, %div3A : vector<2000x64xf32>
    %add3A = arith.addf %slice3A_5, %div3A_12 : vector<2000x64xf32>
    %get3A_13 = arith.constant 0 : index
    %get3A_14 = arith.constant 0 : index
    %get3A_15 = vector.load %arg3[%get3A_13, %get3A_14] : memref<64x64xf32, #tpu.memory_space<vmem>>, vector<64x64xf32>
    %dot_general3A = arith.constant dense<0.000000e+00> : vector<2000x64xf32>
    %dot_general3A_16 = tpu.matmul %add3A, %get3A_15, %dot_general3A {dimension_numbers = #tpu.dot_dimension_numbers<[1], [0], [0], [1], [0, 0, 1, 1], [], []>, transpose_lhs_hint = false} : vector<2000x64xf32>, vector<64x64xf32>, vector<2000x64xf32> -> vector<2000x64xf32>
    %get3A_17 = arith.constant 0 : index
    %get3A_18 = arith.constant 0 : index
    %get3A_19 = vector.load %arg4[%get3A_17, %get3A_18] : memref<1x64xf32, #tpu.memory_space<vmem>>, vector<1x64xf32>
    %add3A_20 = vector.broadcast %get3A_19 : vector<1x64xf32> to vector<2000x64xf32>
    %add3A_21 = arith.addf %dot_general3A_16, %add3A_20 : vector<2000x64xf32>
    %max3A_22 = arith.constant 0.000000e+00 : f32
    %max3A_23 = vector.broadcast %max3A_22 : f32 to vector<2000x64xf32>
    %max3A_24 = arith.maximumf %add3A_21, %max3A_23 : vector<2000x64xf32>
    %get3A_25 = arith.constant 0 : index
    %get3A_26 = arith.constant 0 : index
    %get3A_27 = vector.load %arg5[%get3A_25, %get3A_26] : memref<64x64xf32, #tpu.memory_space<vmem>>, vector<64x64xf32>
    %dot_general3A_28 = arith.constant dense<0.000000e+00> : vector<2000x64xf32>
    %dot_general3A_29 = tpu.matmul %max3A_24, %get3A_27, %dot_general3A_28 {dimension_numbers = #tpu.dot_dimension_numbers<[1], [0], [0], [1], [0, 0, 1, 1], [], []>, transpose_lhs_hint = false} : vector<2000x64xf32>, vector<64x64xf32>, vector<2000x64xf32> -> vector<2000x64xf32>
    %get3A_30 = arith.constant 0 : index
    %get3A_31 = arith.constant 0 : index
    %get3A_32 = vector.load %arg6[%get3A_30, %get3A_31] : memref<1x64xf32, #tpu.memory_space<vmem>>, vector<1x64xf32>
    %add3A_33 = vector.broadcast %get3A_32 : vector<1x64xf32> to vector<2000x64xf32>
    %add3A_34 = arith.addf %dot_general3A_29, %add3A_33 : vector<2000x64xf32>
    %max3A_35 = arith.constant 0.000000e+00 : f32
    %max3A_36 = vector.broadcast %max3A_35 : f32 to vector<2000x64xf32>
    %max3A_37 = arith.maximumf %add3A_34, %max3A_36 : vector<2000x64xf32>
    %get3A_38 = arith.constant 0 : index
    %get3A_39 = arith.constant 0 : index
    %get3A_40 = vector.load %arg7[%get3A_38, %get3A_39] : memref<64x64xf32, #tpu.memory_space<vmem>>, vector<64x64xf32>
    %dot_general3A_41 = arith.constant dense<0.000000e+00> : vector<2000x64xf32>
    %dot_general3A_42 = tpu.matmul %max3A_37, %get3A_40, %dot_general3A_41 {dimension_numbers = #tpu.dot_dimension_numbers<[1], [0], [0], [1], [0, 0, 1, 1], [], []>, transpose_lhs_hint = false} : vector<2000x64xf32>, vector<64x64xf32>, vector<2000x64xf32> -> vector<2000x64xf32>
    %get3A_43 = arith.constant 0 : index
    %get3A_44 = arith.constant 0 : index
    %get3A_45 = vector.load %arg8[%get3A_43, %get3A_44] : memref<1x64xf32, #tpu.memory_space<vmem>>, vector<1x64xf32>
    %add3A_46 = vector.broadcast %get3A_45 : vector<1x64xf32> to vector<2000x64xf32>
    %add3A_47 = arith.addf %dot_general3A_42, %add3A_46 : vector<2000x64xf32>
    %max3A_48 = arith.constant 0.000000e+00 : f32
    %max3A_49 = vector.broadcast %max3A_48 : f32 to vector<2000x64xf32>
    %max3A_50 = arith.maximumf %add3A_47, %max3A_49 : vector<2000x64xf32>
    %get3A_51 = arith.constant 0 : index
    %get3A_52 = arith.constant 0 : index
    %get3A_53 = vector.load %arg9[%get3A_51, %get3A_52] : memref<64x8xf32, #tpu.memory_space<vmem>>, vector<64x8xf32>
    %dot_general3A_54 = arith.constant dense<0.000000e+00> : vector<2000x8xf32>
    %dot_general3A_55 = tpu.matmul %max3A_50, %get3A_53, %dot_general3A_54 {dimension_numbers = #tpu.dot_dimension_numbers<[1], [0], [0], [1], [0, 0, 1, 1], [], []>, transpose_lhs_hint = false} : vector<2000x64xf32>, vector<64x8xf32>, vector<2000x8xf32> -> vector<2000x8xf32>
    %get3A_56 = arith.constant 0 : index
    %get3A_57 = arith.constant 0 : index
    %get3A_58 = vector.load %arg10[%get3A_56, %get3A_57] : memref<1x8xf32, #tpu.memory_space<vmem>>, vector<1x8xf32>
    %add3A_59 = vector.broadcast %get3A_58 : vector<1x8xf32> to vector<2000x8xf32>
    %add3A_60 = arith.addf %dot_general3A_55, %add3A_59 : vector<2000x8xf32>
    %swap3A = arith.constant 0 : index
    %swap3A_61 = arith.constant 0 : index
    %swap3A_62 = vector.load %arg11[%swap3A, %swap3A_61] : memref<2000x8xf32, #tpu.memory_space<vmem>>, vector<2000x8xf32>
    tpu.vector_store %arg11[%swap3A, %swap3A_61], %add3A_60 {strides = array<i32>} : memref<2000x8xf32, #tpu.memory_space<vmem>>, vector<2000x8xf32>,
    return
  }
  func.func @transform_0(%arg0: i32) -> (i32, i32) {
    %c0_i32 = arith.constant 0 : i32
    %c0_i32_0 = arith.constant 0 : i32
    return %arg0, %c0_i32 : i32, i32
  }
  func.func @transform_1(%arg0: i32) -> (i32, i32) {
    %c0_i32 = arith.constant 0 : i32
    %c0_i32_0 = arith.constant 0 : i32
    return %arg0, %c0_i32 : i32, i32
  }
  func.func @transform_2(%arg0: i32) -> (i32, i32) {
    %c0_i32 = arith.constant 0 : i32
    %c0_i32_0 = arith.constant 0 : i32
    %c0_i32_1 = arith.constant 0 : i32
    return %c0_i32, %c0_i32_0 : i32, i32
  }
  func.func @transform_3(%arg0: i32) -> (i32, i32) {
    %c0_i32 = arith.constant 0 : i32
    %c0_i32_0 = arith.constant 0 : i32
    %c0_i32_1 = arith.constant 0 : i32
    return %c0_i32, %c0_i32_0 : i32, i32
  }
  func.func @transform_4(%arg0: i32) -> (i32, i32) {
    %c0_i32 = arith.constant 0 : i32
    %c0_i32_0 = arith.constant 0 : i32
    %c0_i32_1 = arith.constant 0 : i32
    return %c0_i32, %c0_i32_0 : i32, i32
  }
  func.func @transform_5(%arg0: i32) -> (i32, i32) {
    %c0_i32 = arith.constant 0 : i32
    %c0_i32_0 = arith.constant 0 : i32
    %c0_i32_1 = arith.constant 0 : i32
    return %c0_i32, %c0_i32_0 : i32, i32
  }
  func.func @transform_6(%arg0: i32) -> (i32, i32) {
    %c0_i32 = arith.constant 0 : i32
    %c0_i32_0 = arith.constant 0 : i32
    %c0_i32_1 = arith.constant 0 : i32
    return %c0_i32, %c0_i32_0 : i32, i32
  }
  func.func @transform_7(%arg0: i32) -> (i32, i32) {
    %c0_i32 = arith.constant 0 : i32
    %c0_i32_0 = arith.constant 0 : i32
    %c0_i32_1 = arith.constant 0 : i32
    return %c0_i32, %c0_i32_0 : i32, i32
  }
  func.func @transform_8(%arg0: i32) -> (i32, i32) {
    %c0_i32 = arith.constant 0 : i32
    %c0_i32_0 = arith.constant 0 : i32
    %c0_i32_1 = arith.constant 0 : i32
    return %c0_i32, %c0_i32_0 : i32, i32
  }
  func.func @transform_9(%arg0: i32) -> (i32, i32) {
    %c0_i32 = arith.constant 0 : i32
    %c0_i32_0 = arith.constant 0 : i32
    %c0_i32_1 = arith.constant 0 : i32
    return %c0_i32, %c0_i32_0 : i32, i32
  }
  func.func @transform_10(%arg0: i32) -> (i32, i32) {
    %c0_i32 = arith.constant 0 : i32
    %c0_i32_0 = arith.constant 0 : i32
    return %arg0, %c0_i32 : i32, i32
  }
}

</mosaic_0001>

<sc_bundles>
// kernel: kernel.5.cloned.1.call-start
scs
__scs_entry_jumppad:
0x0: {  	(pc) =	sbr.rel $0x88, $3  }
0x1: {  	(tag) =	ssettag $0x0;
	lr =	simm.s32 $0x1  }
0x2: {  	[smem:$0x3F8F] =	sst lr;
	_ =	strace $0xD0000000  }
0x3: {  	_ = 	snop  }
0x4: {  	_ = 	snop  }
0x5: {  	_ = 	snop  }
0x6: {  	_ = 	snop  }
0x7: {  	_ = 	snop  }
__scs_overlays_trampoline_lowered:
0x8: {  	[smem:$0x3F9E] =	sst s0  }
0x9: {  	[smem:$0x3F9F] =	sst s1  }
0xa: {  	[smem:$0x3FA0] =	sst s2  }
0xb: {  	[smem:$0x3FA1] =	sst s3  }
0xc: {  	[smem:$0x3FA2] =	sst s4  }
0xd: {  	[smem:$0x3FA3] =	sst s5  }
0xe: {  	[smem:$0x3FA4] =	sst s6  }
0xf: {  	[smem:$0x3FA5] =	sst s7  }
0x10: {  	[smem:$0x3FA6] =	sst s8  }
0x11: {  	[smem:$0x3FA7] =	sst s9;
	s0 =	simm.s32 @!p0 $0x0  }
0x12: {  	s1 =	sld [smem:$0x3F8D];
	s0 =	simm.s32 @p0 $0x1  }
0x13: {  	[smem:$0x3FA8] =	sst s0;
	s0 =	simm.s32 @!p1 $0x0  }
0x14: {  	s2 =	sld [smem:$0x3F8C];
	s0 =	simm.s32 @p1 $0x1  }
0x15: {  	[smem:$0x3FA9] =	sst s0;
	s0 =	simm.s32 @!p2 $0x0  }
0x16: {  	s3 =	sld [smem:$0x3FDB];
	s0 =	simm.s32 @p2 $0x1  }
0x17: {  	s4 =	simm.s32 $0x1BF5;
	[smem:$0x3FAB] =	sst s0  }
0x18: {  	s0 =	sld [smem:$0x3F8E];
	_ =	swait.ge [sflag:s4], $0x0  }
0x19: {  	s7 =	sld [smem:$0x3F8F]  }
0x1a: {  	s8 =	sadd.s32 $0xFFFFE003, lr  }
0x1b: {  	s9 =	sadd.s32 $0xFFFFFEF7, lr;
	s5 =	simm.s32 $0xFFFFFFFF;
	p2 =	slt.u32 s8, $0xFFFFF086  }
0x1c: {  	p1 =	slt.u32 s9, $0xF7A;
	s5 =	simm.s32 @!p2 $0x0  }
0x1d: {  	s5 =	simm.s32 @p1 $0x1;
	p0 =	seq.s32 s7, s2  }
0x1e: {  	s7 =	smul.u32 @!p0 $0xF7A, s2;
	p2 =	seq.s32 @!p0 s5, $0x0  }
0x1f: {  	s9 =	smul.u32 $0xF7A, s1;
	s8 =	simm.s32 @!p0 $0x1BF5;
	p2 =	por !p2, p0  }
0x20: {  	[sflag:s8] =	ssyncset.s32 @!p0 $0xFFFFF086;
	s6 =	sadd.s32 @!p0 s3, s7;
	s7 =	simm.s32 @!p0 $0x108  }
0x21: {  	s3 =	sadd.s32 s3, s9;
	s6 =	sadd.s32 @!p0 $0x88, s6;
	s7 =	simm.s32 @p2 $0x1082  }
0x22: {  	[simem:s7], [sflag:s8] =	dma.local @!p0 [hbm:s6], $0xF7A  }
0x23: {  	s9 =	sor.u32 $0xD0000000, s2;
	s6 =	simm.s32 $0x108;
	_ =	swait.ge @!p0 [sflag:s8], $0x0  }
0x24: {  	s3 =	sadd.s32 $0x88, s3;
	s6 =	simm.s32 @!p1 $0x1082;
	[sflag:s4] =	ssyncset.s32 $0xFFFFF086  }
0x25: {  	[simem:s6], [sflag:s4] =	dma.local [hbm:s3], $0xF7A  }
0x26: {  	[smem:$0x3F8F] =	sst s1;
	(tag) =	ssettag s2;
	_ =	strace s9  }
0x27: {  	s1 =	sld [smem:$0x3F9F]  }
0x28: {  	s2 =	sld [smem:$0x3FA0]  }
0x29: {  	s4 =	sld [smem:$0x3FA2]  }
0x2a: {  	p0 =	seq.s32 s5, $0x0;
	s5 =	sld [smem:$0x3FA3]  }
0x2b: {  	s6 =	sld [smem:$0x3FA4]  }
0x2c: {  	s7 =	sld [smem:$0x3FA5]  }
0x2d: {  	s3 =	simm.s32 $0x108;
	s8 =	sld [smem:$0x3FA6]  }
0x2e: {  	s3 =	simm.s32 @!p0 $0x1082;
	s9 =	sld [smem:$0x3FA7]  }
0x2f: {  	lr =	sadd.s32 s0, s3;
	s0 =	sld [smem:$0x3F9E]  }
0x30: {  	s3 =	sld [smem:$0x3FA1]  }
0x31: {  	[smem:$0x3FAA] =	sst s10  }
0x32: {  	s10 =	sld [smem:$0x3FA8];
	_ =	sdelay $0x3  }
0x33: {  	p0 =	seq.s32 s10, $0x1;
	s10 =	sld [smem:$0x3FAA];
	_ =	sdelay $0x3  }
0x34: {  	[smem:$0x3FAA] =	sst s10  }
0x35: {  	s10 =	sld [smem:$0x3FA9];
	_ =	sdelay $0x3  }
0x36: {  	p1 =	seq.s32 s10, $0x1;
	s10 =	sld [smem:$0x3FAA];
	_ =	sdelay $0x3  }
0x37: {  	[smem:$0x3FAA] =	sst s10  }
0x38: {  	s10 =	sld [smem:$0x3FAB]  }
0x39: {  	_ = 	snop;
	(pc) =	sbr.ind lr, $3  }
0x3a: {  	_ = 	snop  }
0x3b: {  	_ = 	snop  }
0x3c: {  	p2 =	seq.s32 s10, $0x1;
	s10 =	sld [smem:$0x3FAA]  }
0x3d: {  	_ =	shalt  }
0x3e: {  	_ =	shalt  }
0x3f: {  	_ =	shalt  }
0x40: {  	_ =	shalt  }
0x41: {  	_ =	shalt  }
0x42: {  	_ =	shalt  }
0x43: {  	_ =	shalt  }
0x44: {  	_ =	shalt  }
0x45: {  	_ =	shalt  }
0x46: {  	_ =	shalt  }
0x47: {  	_ =	shalt  }
0x48: {  	_ =	shalt  }
0x49: {  	_ =	shalt  }
0x4a: {  	_ =	shalt  }
0x4b: {  	_ =	shalt  }
0x4c: {  	_ =	shalt  }
0x4d: {  	_ =	shalt  }
0x4e: {  	_ =	shalt  }
0x4f: {  	_ =	shalt  }
0x50: {  	_ =	shalt  }
0x51: {  	_ =	shalt  }
0x52: {  	_ =	shalt  }
0x53: {  	_ =	shalt  }
0x54: {  	_ =	shalt  }
0x55: {  	_ =	shalt  }
0x56: {  	_ =	shalt  }
0x57: {  	_ =	shalt  }
0x58: {  	_ =	shalt  }
0x59: {  	_ =	shalt  }
0x5a: {  	_ =	shalt  }
0x5b: {  	_ =	shalt  }
0x5c: {  	_ =	shalt  }
0x5d: {  	_ =	shalt  }
0x5e: {  	_ =	shalt  }
0x5f: {  	_ =	shalt  }
0x60: {  	_ =	shalt  }
0x61: {  	_ =	shalt  }
0x62: {  	_ =	shalt  }
0x63: {  	_ =	shalt  }
0x64: {  	_ =	shalt  }
0x65: {  	_ =	shalt  }
0x66: {  	_ =	shalt  }
0x67: {  	_ =	shalt  }
0x68: {  	_ =	shalt  }
0x69: {  	_ =	shalt  }
0x6a: {  	_ =	shalt  }
0x6b: {  	_ =	shalt  }
0x6c: {  	_ =	shalt  }
0x6d: {  	_ =	shalt  }
0x6e: {  	_ =	shalt  }
0x6f: {  	_ =	shalt  }
0x70: {  	_ =	shalt  }
0x71: {  	_ =	shalt  }
0x72: {  	_ =	shalt  }
0x73: {  	_ =	shalt  }
0x74: {  	_ =	shalt  }
0x75: {  	_ =	shalt  }
0x76: {  	_ =	shalt  }
0x77: {  	_ =	shalt  }
0x78: {  	_ =	shalt  }
0x79: {  	_ =	shalt  }
0x7a: {  	_ =	shalt  }
0x7b: {  	_ =	shalt  }
0x7c: {  	_ =	shalt  }
0x7d: {  	_ =	shalt  }
0x7e: {  	_ =	shalt  }
0x7f: {  	_ =	shalt  }
0x80: {  	_ =	shalt  }
0x81: {  	_ =	shalt  }
0x82: {  	_ =	shalt  }
0x83: {  	_ =	shalt  }
0x84: {  	_ =	shalt  }
0x85: {  	_ =	shalt  }
0x86: {  	_ =	shalt  }
0x87: {  	_ =	shalt  }
.Lfunc_end0:
.L_simem_size_0:
called_computation_lowered:
.L_overlay_start_0:
0x88: {  	s2 =	sld [smem:$0x3FD9]  }
0x89: {  	s3 =	sld [smem:$0x3FFE];
	_ =	sdelay $0x1  }
0x8a: {  	s1 =	srdreg.scid  }
0x8b: {  	s0 =	sand.u32 $0x1, s1  }
0x8c: {  	s14 =	sshll.u32 s0, $0xA;
	s2 =	sadd.s32 s3, s2  }
0x8d: {  	s2 =	sadd.s32 s2, s14  }
0x8e: {  	[smem:$0x3FB6] =	sst s2  }
0x8f: {  	_ = 	snop  }
0x90: {  	s2 =	sld [smem:$0x3FD0];
	_ =	sdelay $0x2  }
0x91: {  	s15 =	simm.s32 $0xA;
	s4 =	simm.s32 $0x10  }
0x92: {  	[smem:s4], [sflag:s15] =	dma.local [hbm:s2], $0x1  }
0x93: {  	_ =	swait.eq [sflag:s15], $0x1  }
0x94: {  	[sflag:s15] =	ssyncset.done $0x0  }
0x95: {  	[sflag:s15] =	ssyncadd.s32 $0xFFFFFFFF  }
0x96: {  	s16 =	sld [smem:$0x11];
	(tm) =	ssettm $0x1  }
0x97: {  	s17 =	sld [smem:$0x3FFB];
	_ =	sdelay $0x3  }
0x98: {  	_ =	strace s17  }
0x99: {  	s3 =	sld [smem:$0x3FFC];
	_ =	sdelay $0x3  }
0x9a: {  	_ =	strace s3  }
0x9b: {  	s3 =	sld [smem:$0x3FFD];
	_ =	sdelay $0x3  }
0x9c: {  	_ =	strace s3  }
0x9d: {  	_ =	strace $0x8FFFFFFF  }
0x9e: {  	s18 =	sld [smem:$0x3FDB];
	_ =	sdelay $0x1  }
0x9f: {  	s19 =	simm.s32 $_scs_section_size  }
0xa0: {  	s5 =	simm.s32 $_size__tile_overlayer_lowered;
	s6 =	simm.s32 $_tile_overlayer_lowered  }
0xa1: {  	s22 =	simm.s32 $0x1BFF;
	s21 =	sshll.u32 s6, $0x1;
	s3 =	sadd.s32 s19, s18  }
0xa2: {  	s7 =	simm.s32 $0x0;
	s20 =	sshll.u32 s5, $0x1;
	s5 =	sadd.s32 s21, s3  }
0xa3: {  	[timem:s7], [sflag:s22] =	dma.local [hbm:s5], s20  }
0xa4: {  	_ =	swait.ge [sflag:s22], s20  }
0xa5: {  	s4 =	ssub.s32 $0x0, s20;
	[sflag:s22] =	ssyncset.done $0x0  }
0xa6: {  	[sflag:s22] =	ssyncadd.s32 s4;
	_ =	sdelay $0x1  }
0xa7: {  	s23 =	simm.s32 $0x1B8B  }
0xa8: {  	_ =	swait.ge [sflag:s23], $0x1  }
0xa9: {  	[sflag:s23] =	ssyncset.done $0x0  }
0xaa: {  	s25 =	simm.s32 $0x1B8E;
	s24 =	sld [smem:$0x3FFE];
	[sflag:s23] =	ssyncadd.s32 $0xFFFFFFFF  }
0xab: {  	s26 =	simm.s32 $execute0_lowered;
	[smem:$0x3FD2] =	sst s25  }
0xac: {  	s5 =	sshll.u32 s26, $0x1;
	_ =	strace $0x80000046;
	[dreg:$0x1] =	wrdreg $0xFFFFFFFF  }
0xad: {  	s28 =	simm.s32 $_size_execute0_lowered;
	s3 =	sadd.s32 s3, s5;
	[dreg:$0x0] =	wrdreg $0x0  }
0xae: {  	s5 =	sshll.u32 s28, $0x1;
	[dreg:$0x2] =	wrdreg s3  }
0xaf: {  	[dreg:$0x3] =	wrdreg s5  }
0xb0: {  	[dreg:$0x4] =	wrdreg $0xC0  }
0xb1: {  	_ =	task [dreg:s7], $0x5FFFF  }
0xb2: {  	[dreg:$0x1] =	wrdreg $0xFFFFFFFF  }
0xb3: {  	[dreg:$0x0] =	wrdreg $0x60  }
0xb4: {  	[dreg:$0x2] =	wrdreg s24  }
0xb5: {  	[dreg:$0x3] =	wrdreg s16  }
0xb6: {  	[dreg:$0x4] =	wrdreg $0x41A00  }
0xb7: {  	[dreg:$0x5] =	wrdreg $0x9  }
0xb8: {  	_ =	task.clear_ibuf [dreg:s7], $0x6FFFF;
	_ =	strace $0x90000046  }
0xb9: {  	s29 =	simm.s32 $0x9;
	_ =	strace $0x80000048  }
0xba: {  	_ =	swait.ge [sflag:s29], $0x1  }
0xbb: {  	[sflag:s29] =	ssyncadd.s32 $0xFFFFFFFF  }
0xbc: {  	_ =	strace $0x90000048  }
0xbd: {  	_ =	sfence  }
0xbe: {  	s30 =	sld [smem:$0x0];
	_ =	sdelay $0x2  }
0xbf: {  	s31 =	sshll.u32 s1, $0xD;
	s1 =	sshrl.u32 s1, $0x2  }
0xc0: {  	s3 =	sand.u32 $0x4000, s31;
	s1 =	sadd.s32 s1, s30  }
0xc1: {  	s0 =	sor.u32 s3, s0;
	s1 =	sshll.u32 s1, $0x11  }
0xc2: {  	s0 =	sor.u32 s1, s0  }
0xc3: {  	s0 =	sadd.s32 $0x8F2B, s0  }
0xc4: {  	[sflag:s0] =	ssyncadd.remote.s32 $0x1  }
0xc5: {  	_ =	sfence.sel $0xFFFF  }
0xc6: {  	[dreg:$0x0] =	wrdreg $0xFFFFFFFF;
	(pc) =	sbr.abs _section_cstart, $3  }
0xc7: {  	[dreg:$0x1] =	wrdreg $0xFFFFFFFF  }
0xc8: {  	_ =	task.clear_ibuf [dreg:s7], $0x2FFFF;
	_ =	strace $0x9FFFFFFF  }
0xc9: {  	(tm) =	ssettm $0x7FFFFFFF  }
tec
execute0_lowered:
.L_overlay_start_1:
0x0: {  	(tag) =	ssettag $0x1  }
0x1: {  	s6 =	rddreg [dreg:$0x0]  }
0x2: {  	s1 =	rddreg [dreg:$0x1]  }
0x3: {  	s3 =	rddreg [dreg:$0x2]  }
0x4: {  	s0 =	rddreg [dreg:$0x3];
	s4 =	simm.s32 $0x0;
	s5 =	srdreg.scid  }
0x5: {  	s2 =	stileid.u32;
	s17 =	simm.s32 $0x2A0;
	s18 =	simm.s32 $0x150  }
0x6: {  	s19 =	simm.s32 $0x2220;
	s20 =	simm.s32 $0x1;
	s21 =	simm.s32 $0x1C0  }
0x7: {  	s22 =	simm.s32 $0x3;
	s23 =	simm.s32 $0x2;
	s25 =	simm.s32 $0x4  }
0x8: {  	[smem:$0x7FF] =	sst s4;
	s7 =	sand.u32 $0x1, s5;
	s8 =	smul.u32 $0x3720, s2  }
0x9: {  	s5 =	sadd.s32 $0x1400, s6;
	s10 =	sadd.s32 $0x87A00, s6;
	s12 =	smul.u32 $0x6E400, s2  }
0xa: {  	s13 =	sadd.s32 $0x6F200, s6;
	s29 =	sshll.u32 s2, $0x6;
	s30 =	smul.u32 $0x1880, s2  }
0xb: {  	_ =	strace $0x80000047;
	s9 =	smul.u32 $0x37200, s7;
	s11 =	ssub.s32 $0x2, s7  }
0xc: {  	s24 =	smul.u32 $0x61A8, s7;
	s26 =	sshrl.u32 s11, $0x1;
	s28 =	sshrl.u32 s12, $0x2  }
0xd: {  	s7 =	sadd.s32 s10, s30;
	s31 =	sor.u32 $0xE, s30;
	s8 =	sadd.s32 s8, s9  }
0xe: {  	s15 =	ssub.s32 s11, s26;
	s16 =	sadd.s32 s28, s3;
	s9 =	sadd.s32 s10, s31  }
0xf: {  	s10 =	sadd.s32 s13, s31;
	v0 =	vmov s24;
	s24 =	simm.s32 $0x230;
	s26 =	simm.s32 $0x0  }
0x10: {  	s14 =	sadd.s32 s8, s6;
	s6 =	sor.u32 $0x1C05, s29;
	s8 =	sadd.s32 s13, s30  }
0x11: {  	s12 =	smax.u32 s15, $0x1;
	s13 =	sshrl.u32 s16, $0x3;
	s15 =	simm.s32 $0xE0  }
0x12: {  	s16 =	simm.s32 $0x70;
	s11 =	sadd.s32 $0x188000, s14;
	s14 =	simm.s32 $0x5  }
.LBB2_1:
0x13: {  	[spmem:s13], [sflag:s6] =	dma.local [hbm:s1], $0x3720  }
0x14: {  	_ =	swait.ge [sflag:s14], $0x3720  }
0x15: {  	[sflag:s14] =	ssyncset.done $0x0  }
0x16: {  	[sflag:s14] =	ssyncadd.s32 $0xFFFFC8E0  }
0x17: {  	[bflag:$0x0] =	sbarrier.arrive $0xFFFF  }
0x18: {  	[tilespmem:s4], [sflag:$0x5] =	stream.linear.gather [hbm4b:s7+s4], $0x70, $0x38;
	[tilespmem:$0x1FAA0] =	vst v63  }
0x19: {  	_ =	swait.ge [sflag:s14], $0x70  }
0x1a: {  	[sflag:s14] =	ssyncset.done $0x0  }
0x1b: {  	[sflag:s14] =	ssyncadd.s32 $0xFFFFFF90  }
0x1c: {  	[tilespmem:s15], [sflag:$0x5] =	stream.linear.gather [hbm4b:s8+s4], $0x70, $0x38;
	[tilespmem:$0x1FAA0] =	vst v63  }
0x1d: {  	_ =	swait.ge [sflag:s14], $0x70  }
0x1e: {  	[sflag:s14] =	ssyncset.done $0x0  }
0x1f: {  	[sflag:s14] =	ssyncadd.s32 $0xFFFFFF90  }
0x20: {  	v1 =	vld [tilespmem:$0x0]  }
0x21: {  	v2 =	vld [tilespmem:$0x10]  }
0x22: {  	v3 =	vld [tilespmem:$0x20]  }
0x23: {  	v4 =	vld [tilespmem:$0x30]  }
0x24: {  	v5 =	vld [tilespmem:$0x40]  }
0x25: {  	v6 =	vld [tilespmem:$0x50];
	v1 =	vsub.s32 v1, v0  }
0x26: {  	v7 =	vld [tilespmem:$0x60];
	v2 =	vsub.s32 v2, v0;
	v1 =	vmin.u32 v1, $0x61A8  }
0x27: {  	[tilespmem:$0x1C0] =	vst v1;
	v1 =	vmin.u32 v2, $0x61A8;
	v2 =	vsub.s32 v3, v0  }
0x28: {  	[tilespmem:$0x1D0] =	vst v1;
	v1 =	vmin.u32 v2, $0x61A8;
	v2 =	vsub.s32 v4, v0  }
0x29: {  	[tilespmem:$0x1E0] =	vst v1;
	v1 =	vmin.u32 v2, $0x61A8;
	v2 =	vsub.s32 v5, v0  }
0x2a: {  	[tilespmem:$0x1F0] =	vst v1;
	v1 =	vmin.u32 v2, $0x61A8;
	v2 =	vsub.s32 v6, v0  }
0x2b: {  	[tilespmem:$0x200] =	vst v1;
	v1 =	vmin.u32 v2, $0x61A8;
	v2 =	vsub.s32 v7, v0  }
0x2c: {  	[tilespmem:$0x210] =	vst v1;
	v1 =	vmin.u32 v2, $0x61A8  }
0x2d: {  	[tilespmem:$0x220] =	vst v1  }
0x2e: {  	[tilespmem:s17], [sflag:$0x1] =	stream.indirect.gather [hbm4b:s5+s16], $0x48, s15, s16, $0xb8;
	[tilespmem:$0x1FAA0] =	vst v63  }
0x2f: {  	_ = 	snop  }
0x30: {  	[tilespmem:s16], [sflag:$0x5] =	stream.linear.gather [hbm4b:s9+s4], $0x70, $0x38;
	[tilespmem:$0x1FAA0] =	vst v63  }
0x31: {  	_ =	swait.ge [sflag:s14], $0x70  }
0x32: {  	[sflag:s14] =	ssyncset.done $0x0  }
0x33: {  	[sflag:s14] =	ssyncadd.s32 $0xFFFFFF90  }
0x34: {  	[tilespmem:s18], [sflag:$0x5] =	stream.linear.gather [hbm4b:s10+s4], $0x70, $0x38;
	[tilespmem:$0x1FAA0] =	vst v63  }
0x35: {  	_ =	swait.ge [sflag:s14], $0x70  }
0x36: {  	[sflag:s14] =	ssyncset.done $0x0  }
0x37: {  	[sflag:s14] =	ssyncadd.s32 $0xFFFFFF90  }
0x38: {  	v1 =	vld [tilespmem:$0x70]  }
0x39: {  	v2 =	vld [tilespmem:$0x80]  }
0x3a: {  	v3 =	vld [tilespmem:$0x90]  }
0x3b: {  	v60 =	vld [tilespmem:$0xA0]  }
0x3c: {  	v61 =	vld [tilespmem:$0xB0]  }
0x3d: {  	v62 =	vld [tilespmem:$0xC0];
	v1 =	vsub.s32 v1, v0  }
0x3e: {  	v63 =	vld [tilespmem:$0xD0];
	v2 =	vsub.s32 v2, v0;
	v1 =	vmin.u32 v1, $0x61A8  }
0x3f: {  	[tilespmem:$0x230] =	vst v1;
	v1 =	vmin.u32 v2, $0x61A8;
	v2 =	vsub.s32 v3, v0  }
0x40: {  	[tilespmem:$0x240] =	vst v1;
	v1 =	vmin.u32 v2, $0x61A8;
	v2 =	vsub.s32 v60, v0  }
0x41: {  	[tilespmem:$0x250] =	vst v1;
	v1 =	vmin.u32 v2, $0x61A8;
	v2 =	vsub.s32 v61, v0  }
0x42: {  	[tilespmem:$0x260] =	vst v1;
	v1 =	vmin.u32 v2, $0x61A8;
	v2 =	vsub.s32 v62, v0  }
0x43: {  	[tilespmem:$0x270] =	vst v1;
	v1 =	vmin.u32 v2, $0x61A8;
	v2 =	vsub.s32 v63, v0  }
0x44: {  	[tilespmem:$0x280] =	vst v1;
	v1 =	vmin.u32 v2, $0x61A8  }
0x45: {  	[tilespmem:$0x290] =	vst v1  }
0x46: {  	[tilespmem:s19], [sflag:$0x2] =	stream.indirect.gather [hbm4b:s5+s16], $0x48, s18, s16, $0xb8;
	[tilespmem:$0x1FAA0] =	vst v63  }
0x47: {  	_ =	swait.ge [sflag:s20], $0x1F80  }
0x48: {  	[sflag:s20] =	ssyncset.done $0x0  }
0x49: {  	[sflag:s20] =	ssyncadd.s32 $0xFFFFE080  }
0x4a: {  	[spmem:s3] =	stream.indirect.scatter.add.f32 [tilespmem:s17], [sflag:$0x3], $0x48, s21, s16, $0xb8;
	[tilespmem:$0x1FAA0] =	vst v63  }
0x4b: {  	_ =	swait.ge [sflag:s22], $0x1F80  }
0x4c: {  	s30 =	sadd.s32 $0xFFFFE79C, s7;
	[sflag:s22] =	ssyncset.done $0x0  }
0x4d: {  	s28 =	sadd.s32 $0x1880, s30;
	[sflag:s22] =	ssyncadd.s32 $0xFFFFE080  }
0x4e: {  	[tilespmem:s4], [sflag:$0x5] =	stream.linear.gather [hbm4b:s28+s4], $0x70, $0x38;
	[tilespmem:$0x1FAA0] =	vst v63  }
0x4f: {  	_ =	swait.ge [sflag:s14], $0x70  }
0x50: {  	s31 =	sadd.s32 $0xFFFFE79C, s8;
	[sflag:s14] =	ssyncset.done $0x0  }
0x51: {  	s28 =	sadd.s32 $0x1880, s31;
	[sflag:s14] =	ssyncadd.s32 $0xFFFFFF90  }
0x52: {  	[tilespmem:s15], [sflag:$0x5] =	stream.linear.gather [hbm4b:s28+s4], $0x70, $0x38;
	[tilespmem:$0x1FAA0] =	vst v63  }
0x53: {  	s28 =	simm.s32 $0xFFFFE7B8  }
.LBB2_2:
0x54: {  	p0 =	sne.s32 s28, $0xFFFFFFE4  }
0x55: {  	_ =	swait.ge [sflag:s14], $0x70;
	s29 =	smov.u32 s28;
	s28 =	sadd.s32 $0x1C, s28  }
0x56: {  	[sflag:s14] =	ssyncset.done $0x0  }
0x57: {  	[sflag:s14] =	ssyncadd.s32 $0xFFFFFF90  }
0x58: {  	v1 =	vld [tilespmem:$0x60]  }
0x59: {  	v2 =	vld [tilespmem:$0x30]  }
0x5a: {  	v3 =	vld [tilespmem:$0x50]  }
0x5b: {  	v4 =	vld [tilespmem:$0x20]  }
0x5c: {  	v5 =	vld [tilespmem:$0x40]  }
0x5d: {  	v6 =	vld [tilespmem:$0x0];
	v1 =	vsub.s32 v1, v0  }
0x5e: {  	v7 =	vld [tilespmem:$0x10];
	v2 =	vsub.s32 v2, v0;
	v1 =	vmin.u32 v1, $0x61A8  }
0x5f: {  	v2 =	vmin.u32 v2, $0x61A8;
	v3 =	vsub.s32 v3, v0;
	[tilespmem:$0x220] =	vst v1  }
0x60: {  	v1 =	vsub.s32 v4, v0;
	[tilespmem:$0x1F0] =	vst v2;
	v2 =	vmin.u32 v3, $0x61A8  }
0x61: {  	v1 =	vmin.u32 v1, $0x61A8;
	v3 =	vsub.s32 v5, v0;
	[tilespmem:$0x210] =	vst v2  }
0x62: {  	v2 =	vsub.s32 v6, v0;
	[tilespmem:$0x1E0] =	vst v1;
	v1 =	vmin.u32 v3, $0x61A8  }
0x63: {  	v2 =	vmin.u32 v2, $0x61A8;
	v3 =	vsub.s32 v7, v0;
	[tilespmem:$0x200] =	vst v1  }
0x64: {  	[tilespmem:$0x1C0] =	vst v2;
	v1 =	vmin.u32 v3, $0x61A8  }
0x65: {  	[tilespmem:$0x1D0] =	vst v1  }
0x66: {  	[tilespmem:s17], [sflag:$0x1] =	stream.indirect.gather [hbm4b:s5+s16], $0x48, s15, s16, $0xb8;
	[tilespmem:$0x1FAA0] =	vst v63  }
0x67: {  	_ =	swait.ge [sflag:s23], $0x1F80  }
0x68: {  	[sflag:s23] =	ssyncset.done $0x0  }
0x69: {  	[sflag:s23] =	ssyncadd.s32 $0xFFFFE080  }
0x6a: {  	[spmem:s3] =	stream.indirect.scatter.add.f32 [tilespmem:s19], [sflag:$0x4], $0x48, s24, s16, $0xb8;
	[tilespmem:$0x1FAA0] =	vst v63  }
0x6b: {  	_ =	swait.ge [sflag:s25], $0x1F80  }
0x6c: {  	[sflag:s25] =	ssyncset.done $0x0  }
0x6d: {  	s30 =	sadd.s32 $0x188E, s30;
	[sflag:s25] =	ssyncadd.s32 $0xFFFFE080  }
0x6e: {  	[tilespmem:s16], [sflag:$0x5] =	stream.linear.gather [hbm4b:s30+s4], $0x70, $0x38;
	[tilespmem:$0x1FAA0] =	vst v63  }
0x6f: {  	_ =	swait.ge [sflag:s14], $0x70  }
0x70: {  	[sflag:s14] =	ssyncset.done $0x0  }
0x71: {  	s30 =	sadd.s32 $0x188E, s31;
	[sflag:s14] =	ssyncadd.s32 $0xFFFFFF90  }
0x72: {  	[tilespmem:s18], [sflag:$0x5] =	stream.linear.gather [hbm4b:s30+s4], $0x70, $0x38;
	[tilespmem:$0x1FAA0] =	vst v63  }
0x73: {  	_ =	swait.ge [sflag:s14], $0x70  }
0x74: {  	[sflag:s14] =	ssyncset.done $0x0  }
0x75: {  	[sflag:s14] =	ssyncadd.s32 $0xFFFFFF90  }
0x76: {  	v1 =	vld [tilespmem:$0x70]  }
0x77: {  	v2 =	vld [tilespmem:$0xD0]  }
0x78: {  	v3 =	vld [tilespmem:$0x90]  }
0x79: {  	v4 =	vld [tilespmem:$0xC0]  }
0x7a: {  	v5 =	vld [tilespmem:$0xA0]  }
0x7b: {  	v1 =	vsub.s32 v1, v0;
	v6 =	vld [tilespmem:$0xB0]  }
0x7c: {  	v1 =	vmin.u32 v1, $0x61A8;
	v7 =	vld [tilespmem:$0x80];
	v2 =	vsub.s32 v2, v0  }
0x7d: {  	[tilespmem:$0x230] =	vst v1;
	v1 =	vsub.s32 v3, v0;
	v2 =	vmin.u32 v2, $0x61A8  }
0x7e: {  	v1 =	vmin.u32 v1, $0x61A8;
	v3 =	vsub.s32 v4, v0;
	[tilespmem:$0x290] =	vst v2  }
0x7f: {  	[tilespmem:$0x250] =	vst v1;
	v1 =	vsub.s32 v5, v0;
	v2 =	vmin.u32 v3, $0x61A8  }
0x80: {  	v1 =	vmin.u32 v1, $0x61A8;
	v3 =	vsub.s32 v6, v0;
	[tilespmem:$0x280] =	vst v2  }
0x81: {  	v2 =	vsub.s32 v7, v0;
	[tilespmem:$0x260] =	vst v1;
	v1 =	vmin.u32 v3, $0x61A8  }
0x82: {  	v2 =	vmin.u32 v2, $0x61A8;
	[tilespmem:$0x270] =	vst v1  }
0x83: {  	[tilespmem:$0x240] =	vst v2  }
0x84: {  	[tilespmem:s19], [sflag:$0x2] =	stream.indirect.gather [hbm4b:s5+s16], $0x48, s18, s16, $0xb8;
	[tilespmem:$0x1FAA0] =	vst v63  }
0x85: {  	_ =	swait.ge [sflag:s20], $0x1F80  }
0x86: {  	[sflag:s20] =	ssyncset.done $0x0  }
0x87: {  	[sflag:s20] =	ssyncadd.s32 $0xFFFFE080  }
0x88: {  	[spmem:s3] =	stream.indirect.scatter.add.f32 [tilespmem:s17], [sflag:$0x3], $0x48, s21, s16, $0xb8;
	[tilespmem:$0x1FAA0] =	vst v63  }
0x89: {  	_ =	swait.ge [sflag:s22], $0x1F80  }
0x8a: {  	s30 =	sadd.s32 s29, s7;
	[sflag:s22] =	ssyncset.done $0x0  }
0x8b: {  	s31 =	sadd.s32 $0x1880, s30;
	[sflag:s22] =	ssyncadd.s32 $0xFFFFE080  }
0x8c: {  	[tilespmem:s4], [sflag:$0x5] =	stream.linear.gather [hbm4b:s31+s4], $0x70, $0x38;
	[tilespmem:$0x1FAA0] =	vst v63  }
.Ltmp0:
0x8d: {  	_ = 	snop;
	(pc) =	sbr.rel @p0 .LBB2_2-.Ltmp0, $4  }
0x8e: {  	_ =	swait.ge [sflag:s14], $0x70  }
0x8f: {  	s31 =	sadd.s32 s29, s8;
	[sflag:s14] =	ssyncset.done $0x0  }
0x90: {  	s29 =	sadd.s32 $0x1880, s31;
	[sflag:s14] =	ssyncadd.s32 $0xFFFFFF90  }
0x91: {  	[tilespmem:s15], [sflag:$0x5] =	stream.linear.gather [hbm4b:s29+s4], $0x70, $0x38;
	[tilespmem:$0x1FAA0] =	vst v63  }
0x92: {  	_ =	swait.ge [sflag:s14], $0x70  }
0x93: {  	[sflag:s14] =	ssyncset.done $0x0  }
0x94: {  	[sflag:s14] =	ssyncadd.s32 $0xFFFFFF90  }
0x95: {  	v1 =	vld [tilespmem:$0x60]  }
0x96: {  	v2 =	vld [tilespmem:$0x30]  }
0x97: {  	v3 =	vld [tilespmem:$0x50]  }
0x98: {  	v4 =	vld [tilespmem:$0x20]  }
0x99: {  	v5 =	vld [tilespmem:$0x40]  }
0x9a: {  	v6 =	vld [tilespmem:$0x0];
	v1 =	vsub.s32 v1, v0  }
0x9b: {  	v7 =	vld [tilespmem:$0x10];
	v2 =	vsub.s32 v2, v0;
	v1 =	vmin.u32 v1, $0x61A8  }
0x9c: {  	v3 =	vsub.s32 v3, v0;
	v2 =	vmin.u32 v2, $0x61A8;
	[tilespmem:$0x220] =	vst v1  }
0x9d: {  	v1 =	vsub.s32 v4, v0;
	[tilespmem:$0x1F0] =	vst v2;
	v2 =	vmin.u32 v3, $0x61A8  }
0x9e: {  	v3 =	vsub.s32 v5, v0;
	v1 =	vmin.u32 v1, $0x61A8;
	[tilespmem:$0x210] =	vst v2  }
0x9f: {  	v2 =	vsub.s32 v6, v0;
	[tilespmem:$0x1E0] =	vst v1;
	v1 =	vmin.u32 v3, $0x61A8  }
0xa0: {  	v2 =	vmin.u32 v2, $0x61A8;
	v3 =	vsub.s32 v7, v0;
	[tilespmem:$0x200] =	vst v1  }
0xa1: {  	[tilespmem:$0x1C0] =	vst v2;
	v1 =	vmin.u32 v3, $0x61A8  }
0xa2: {  	[tilespmem:$0x1D0] =	vst v1  }
0xa3: {  	[tilespmem:s17], [sflag:$0x1] =	stream.indirect.gather [hbm4b:s5+s16], $0x48, s15, s16, $0xb8;
	[tilespmem:$0x1FAA0] =	vst v63  }
0xa4: {  	_ =	swait.ge [sflag:s23], $0x1F80  }
0xa5: {  	[sflag:s23] =	ssyncset.done $0x0  }
0xa6: {  	[sflag:s23] =	ssyncadd.s32 $0xFFFFE080  }
0xa7: {  	[spmem:s3] =	stream.indirect.scatter.add.f32 [tilespmem:s19], [sflag:$0x4], $0x48, s24, s16, $0xb8;
	[tilespmem:$0x1FAA0] =	vst v63  }
0xa8: {  	_ =	swait.ge [sflag:s25], $0x1F80  }
0xa9: {  	[sflag:s25] =	ssyncset.done $0x0  }
0xaa: {  	s28 =	sadd.s32 $0x188E, s30;
	[sflag:s25] =	ssyncadd.s32 $0xFFFFE080  }
0xab: {  	[tilespmem:s16], [sflag:$0x5] =	stream.linear.gather [hbm4b:s28+s4], $0x70, $0x38;
	[tilespmem:$0x1FAA0] =	vst v63  }
0xac: {  	_ =	swait.ge [sflag:s14], $0x70  }
0xad: {  	[sflag:s14] =	ssyncset.done $0x0  }
0xae: {  	s31 =	sadd.s32 $0x188E, s31;
	[sflag:s14] =	ssyncadd.s32 $0xFFFFFF90  }
0xaf: {  	[tilespmem:s18], [sflag:$0x5] =	stream.linear.gather [hbm4b:s31+s4], $0x70, $0x38;
	[tilespmem:$0x1FAA0] =	vst v63  }
0xb0: {  	_ =	swait.ge [sflag:s14], $0x70  }
0xb1: {  	[sflag:s14] =	ssyncset.done $0x0  }
0xb2: {  	[sflag:s14] =	ssyncadd.s32 $0xFFFFFF90  }
0xb3: {  	v1 =	vld [tilespmem:$0x70]  }
0xb4: {  	v2 =	vld [tilespmem:$0xD0]  }
0xb5: {  	v3 =	vld [tilespmem:$0x90]  }
0xb6: {  	v60 =	vld [tilespmem:$0xC0]  }
0xb7: {  	v61 =	vld [tilespmem:$0xA0]  }
0xb8: {  	v63 =	vld [tilespmem:$0x80];
	v1 =	vsub.s32 v1, v0  }
0xb9: {  	v62 =	vld [tilespmem:$0xB0];
	v2 =	vsub.s32 v2, v0;
	v1 =	vmin.u32 v1, $0x61A8  }
0xba: {  	v2 =	vmin.u32 v2, $0x61A8;
	[tilespmem:$0x230] =	vst v1;
	v1 =	vsub.s32 v3, v0  }
0xbb: {  	v3 =	vsub.s32 v60, v0;
	[tilespmem:$0x290] =	vst v2;
	v1 =	vmin.u32 v1, $0x61A8  }
0xbc: {  	v2 =	vmin.u32 v3, $0x61A8;
	[tilespmem:$0x250] =	vst v1;
	v1 =	vsub.s32 v61, v0  }
0xbd: {  	[tilespmem:$0x280] =	vst v2;
	v2 =	vsub.s32 v63, v0;
	v1 =	vmin.u32 v1, $0x61A8  }
0xbe: {  	v3 =	vsub.s32 v62, v0;
	v2 =	vmin.u32 v2, $0x61A8;
	[tilespmem:$0x260] =	vst v1  }
0xbf: {  	v1 =	vmin.u32 v3, $0x61A8;
	[tilespmem:$0x240] =	vst v2  }
0xc0: {  	[tilespmem:$0x270] =	vst v1  }
0xc1: {  	[tilespmem:s19], [sflag:$0x2] =	stream.indirect.gather [hbm4b:s5+s16], $0x48, s18, s16, $0xb8;
	[tilespmem:$0x1FAA0] =	vst v63  }
0xc2: {  	_ =	swait.ge [sflag:s20], $0x1F80  }
0xc3: {  	[sflag:s20] =	ssyncset.done $0x0  }
0xc4: {  	[sflag:s20] =	ssyncadd.s32 $0xFFFFE080  }
0xc5: {  	[spmem:s3] =	stream.indirect.scatter.add.f32 [tilespmem:s17], [sflag:$0x3], $0x48, s21, s16, $0xb8;
	[tilespmem:$0x1FAA0] =	vst v63  }
0xc6: {  	_ =	swait.ge [sflag:s23], $0x1F80  }
0xc7: {  	[sflag:s23] =	ssyncset.done $0x0  }
0xc8: {  	[sflag:s23] =	ssyncadd.s32 $0xFFFFE080  }
0xc9: {  	[spmem:s3] =	stream.indirect.scatter.add.f32 [tilespmem:s19], [sflag:$0x4], $0x48, s24, s16, $0xb8;
	[tilespmem:$0x1FAA0] =	vst v63  }
0xca: {  	_ =	swait.ge [sflag:s22], $0x1F80  }
0xcb: {  	[sflag:s22] =	ssyncset.done $0x0  }
0xcc: {  	[sflag:s22] =	ssyncadd.s32 $0xFFFFE080  }
0xcd: {  	_ =	swait.ge [sflag:s25], $0x1F80  }
0xce: {  	s26 =	sadd.s32 $0x1, s26;
	[sflag:s25] =	ssyncset.done $0x0  }
0xcf: {  	p0 =	sne.s32 s26, s12;
	[sflag:s25] =	ssyncadd.s32 $0xFFFFE080  }
.Ltmp1:
0xd0: {  	[bflag:$0x0] =	sbarrier.arrive $0xFFFF;
	(pc) =	sbr.rel @p0 .LBB2_1-.Ltmp1, $4  }
0xd1: {  	[hbm:s11], [sflag:s6] =	dma.local [spmem:s13], $0x3720  }
0xd2: {  	_ =	swait.ge [sflag:s14], $0x3720  }
0xd3: {  	[sflag:s14] =	ssyncset.done $0x0  }
0xd4: {  	[sflag:s14] =	ssyncadd.s32 $0xFFFFC8E0  }
0xd5: {  	_ =	sfence.sel $0x180000  }
0xd6: {  	[bflag:$0x0] =	sbarrier.arrive $0xFFFF  }
0xd7: {  	p0 =	sne.s32 s2, $0x0;
	_ =	strace $0x90000047  }
0xd8: {  	s0 =	sadd.s32 @!p0 $0x100000, s0;
	[bflag:$0x2] =	sbarrier.arrive $0xFFFF  }
0xd9: {  	[sflag:s0] =	ssyncadd.tile.s32 @!p0 $0x1;
	_ =	shalt  }
.Lfunc_end2:
_tile_overlayer_lowered:
.L_overlay_start_2:
0xda: {  	(tag) =	ssettag $0x2  }
0xdb: {  	s0 =	rddreg [dreg:$0x0];
	s2 =	stileid.u32  }
0xdc: {  	s1 =	rddreg [dreg:$0x1];
	p0 =	sne.s32 s2, $0x0  }
0xdd: {  	s3 =	rddreg [dreg:$0x2];
	[bflag:$0x3] =	sbarrier.arrive $0xFFFF;
	s2 =	simm.s32 @!p0 $0x1C05  }
0xde: {  	[timem:s3], [sflag:s2] =	dma.local @!p0 [hbm:s0], s1  }
0xdf: {  	s0 =	simm.s32 @!p0 $0x5  }
0xe0: {  	_ =	swait.ge @!p0 [sflag:s0], s1  }
0xe1: {  	s1 =	ssub.s32 @!p0 $0x0, s1;
	[sflag:s0] =	ssyncset.done @!p0 $0x0  }
0xe2: {  	[sflag:s0] =	ssyncadd.s32 @!p0 s1  }
0xe3: {  	[bflag:$0x3] =	sbarrier.arrive $0xFFFF  }
0xe4: {  	_ =	shalt  }

</sc_bundles>
